<compile_context>
chip_gen: v7x
topology: tpu7x:2x2x1
jax: 0.10.2.dev20260603
libtpu: 0.0.44.dev20260713+nightly
codegen_flags: <defaults>
</compile_context>

<pallas_src>
import functools

import jax
import jax.numpy as jnp
from jax import lax
from jax.experimental import pallas as pl
from jax.experimental.pallas import tpu as pltpu
from jax.experimental.pallas import tpu_sc as plsc

N = 10000
E = 320000
D = 128
DE = 16

NC = 2
NS = 16
EPT = E // (NC * NS)
CH = 80
NCHUNK = EPT // CH
NPAD = 10240
RPT = NPAD // NS

def _prep_body(x_ref, w1_ref, bne_ref, wedge_ref, wne2_ref, xh_ref, w2e_ref):
    i = pl.program_id(0)
    xh_ref[...] = (
        jnp.dot(x_ref[...], w1_ref[...], preferred_element_type=jnp.float32)
        + bne_ref[...][None, :]
    )

    @pl.when(i == 0)
    def _():
        w2e_ref[...] = jnp.dot(
            wedge_ref[...], wne2_ref[...], preferred_element_type=jnp.float32
        )


def _prep(x, W1, b_ne, W_edge, W2):
    nb = 5
    rb = N // nb
    return pl.pallas_call(
        _prep_body,
        grid=(nb,),
        in_specs=[
            pl.BlockSpec((rb, D), lambda i: (i, 0)),
            pl.BlockSpec((D, D), lambda i: (0, 0)),
            pl.BlockSpec((D,), lambda i: (0,)),
            pl.BlockSpec((DE, D), lambda i: (0, 0)),
            pl.BlockSpec((D, D), lambda i: (0, 0)),
        ],
        out_specs=[
            pl.BlockSpec((rb, D), lambda i: (i, 0)),
            pl.BlockSpec((DE, D), lambda i: (0, 0)),
        ],
        out_shape=[
            jax.ShapeDtypeStruct((N, D), jnp.float32),
            jax.ShapeDtypeStruct((DE, D), jnp.float32),
        ],
    )(x, W1, b_ne, W_edge, W2)


def _eh2_body(ea_ref, w2e_ref, eh2_ref):
    eh2_ref[...] = jnp.dot(
        ea_ref[...], w2e_ref[...], preferred_element_type=jnp.float32
    )


def _eh2(edge_attr, W2e):
    eb = 4000
    nb = E // eb
    return pl.pallas_call(
        _eh2_body,
        grid=(nb,),
        in_specs=[
            pl.BlockSpec((eb, DE), lambda i: (i, 0)),
            pl.BlockSpec((DE, D), lambda i: (0, 0)),
        ],
        out_specs=pl.BlockSpec((eb, D), lambda i: (i, 0)),
        out_shape=jax.ShapeDtypeStruct((E, D), jnp.float32),
    )(edge_attr, W2e)


def _sc_body(xh_hbm, eh2_hbm, ei_hbm, msum_hbm, deg_hbm,
             src_b0, src_b1, dst_b0, dst_b1, rows_v0, rows_v1, eh_v0, eh_v1,
             ones_v, zdeg_v, msum_sh, deg_sh,
             idx_sem0, idx_sem1, in_sem0, in_sem1, out_sem):
    c = lax.axis_index("c")
    s = lax.axis_index("s")
    wid = c * NS + s

    src_b = (src_b0, src_b1)
    dst_b = (dst_b0, dst_b1)
    rows_v = (rows_v0, rows_v1)
    eh_v = (eh_v0, eh_v1)
    idx_sems = (idx_sem0, idx_sem1)
    in_sems = (in_sem0, in_sem1)

    zero16 = jnp.zeros((16,), jnp.float32)
    one16 = jnp.ones((16,), jnp.float32)

    @pl.loop(0, CH)
    def _(r):
        for j in range(8):
            rows_v0[r, pl.ds(j * 16, 16)] = zero16

    @pl.loop(0, 128)
    def _(k):
        zdeg_v[pl.ds(k * 16, 16)] = zero16

    for k in range(CH // 16):
        ones_v[pl.ds(k * 16, 16)] = one16

    for t in range(8):
        pltpu.async_copy(
            rows_v0, msum_sh.at[pl.ds(s * RPT + t * CH, CH)], in_sem0
        )
    for t in range(8):
        pltpu.make_async_copy(
            rows_v0, msum_sh.at[pl.ds(s * RPT + t * CH, CH)], in_sem0
        ).wait()

    @pl.when(s == 0)
    def _():
        for t in range(5):
            pltpu.sync_copy(zdeg_v, deg_sh.at[pl.ds(t * 2048, 2048)])

    plsc.subcore_barrier()

    ebase = wid * EPT

    def fire_idx(ic, b):
        base = ebase + ic * CH
        pltpu.async_copy(ei_hbm.at[pl.ds(base, CH)], src_b[b], idx_sems[b])
        pltpu.async_copy(ei_hbm.at[pl.ds(E + base, CH)], dst_b[b],
                         idx_sems[b])

    def wait_idx(ic, b):
        base = ebase + ic * CH
        pltpu.make_async_copy(
            ei_hbm.at[pl.ds(base, CH)], src_b[b], idx_sems[b]
        ).wait()
        pltpu.make_async_copy(
            ei_hbm.at[pl.ds(E + base, CH)], dst_b[b], idx_sems[b]
        ).wait()

    def fire_data(ic, b):
        pltpu.async_copy(xh_hbm.at[src_b[b]], rows_v[b], in_sems[b])
        pltpu.async_copy(
            eh2_hbm.at[pl.ds(ebase + ic * CH, CH)], eh_v[b], in_sems[b]
        )

    def wait_data(ic, b):
        pltpu.make_async_copy(
            xh_hbm.at[src_b[b]], rows_v[b], in_sems[b]
        ).wait()
        pltpu.make_async_copy(
            eh2_hbm.at[pl.ds(ebase + ic * CH, CH)], eh_v[b], in_sems[b]
        ).wait()

    def compute(b):
        rv, ev = rows_v[b], eh_v[b]

        @plsc.parallel_loop(0, CH)
        def _(r):
            for k in range(8):
                sl = pl.ds(k * 16, 16)
                rv[r, sl] = jnp.maximum(rv[r, sl] + ev[r, sl], 0.0)

    def process(ic, b, nb):
        @pl.when(ic + 1 < NCHUNK)
        def _():
            wait_idx(ic + 1, nb)
            fire_data(ic + 1, nb)

        wait_data(ic, b)
        compute(b)
        d1 = pltpu.async_copy(rows_v[b], msum_sh.at[dst_b[b]], out_sem,
                              add=True)
        d2 = pltpu.async_copy(ones_v, deg_sh.at[dst_b[b]], out_sem,
                              add=True)
        d1.wait()
        d2.wait()

        @pl.when(ic + 2 < NCHUNK)
        def _():
            fire_idx(ic + 2, b)

    fire_idx(0, 0)
    fire_idx(1, 1)
    wait_idx(0, 0)
    fire_data(0, 0)

    @pl.loop(0, NCHUNK - 1, step=2)
    def _(i):
        process(i, 0, 1)
        process(i + 1, 1, 0)

    process(NCHUNK - 1, 0, 1)

    plsc.subcore_barrier()

    for t in range(5):
        sl = pl.ds(s * RPT + t * 128, 128)
        pltpu.async_copy(msum_sh.at[sl], msum_hbm.at[c, sl], in_sem0)
    for t in range(5):
        sl = pl.ds(s * RPT + t * 128, 128)
        pltpu.make_async_copy(msum_sh.at[sl], msum_hbm.at[c, sl],
                              in_sem0).wait()

    @pl.when(s == 0)
    def _():
        for t in range(5):
            pltpu.sync_copy(
                deg_sh.at[pl.ds(t * 2048, 2048)],
                deg_hbm.at[pl.ds(c * NPAD + t * 2048, 2048)],
            )


_sc_call = functools.partial(
    pl.kernel,
    out_type=(
        jax.ShapeDtypeStruct((NC, NPAD, D), jnp.float32),
        jax.ShapeDtypeStruct((NC * NPAD,), jnp.float32),
    ),
    mesh=plsc.VectorSubcoreMesh(
        core_axis_name="c", subcore_axis_name="s", num_cores=NC, num_subcores=NS
    ),
    scratch_types=[
        pltpu.VMEM((CH,), jnp.int32),
        pltpu.VMEM((CH,), jnp.int32),
        pltpu.VMEM((CH,), jnp.int32),
        pltpu.VMEM((CH,), jnp.int32),
        pltpu.VMEM((CH, D), jnp.float32),
        pltpu.VMEM((CH, D), jnp.float32),
        pltpu.VMEM((CH, D), jnp.float32),
        pltpu.VMEM((CH, D), jnp.float32),
        pltpu.VMEM((CH,), jnp.float32),
        pltpu.VMEM((2048,), jnp.float32),
        pltpu.VMEM_SHARED((NPAD, D), jnp.float32),
        pltpu.VMEM_SHARED((NPAD,), jnp.float32),
        pltpu.SemaphoreType.DMA,
        pltpu.SemaphoreType.DMA,
        pltpu.SemaphoreType.DMA,
        pltpu.SemaphoreType.DMA,
        pltpu.SemaphoreType.DMA,
    ],
)(_sc_body)


def _comb_body(p_ref, deg_ref, x_ref, ws_ref, bs_ref, o_ref):
    ms = p_ref[0] + p_ref[1]
    d = deg_ref[0] + deg_ref[1]
    r = 1.0 / jnp.maximum(d, 1.0)
    sf = (
        jnp.dot(x_ref[...], ws_ref[...], preferred_element_type=jnp.float32)
        + bs_ref[...][None, :]
    )
    o_ref[...] = ms * r + sf


def _combine(msum, deg, x, W_self, b_self):
    nb = 5
    rb = N // nb
    return pl.pallas_call(
        _comb_body,
        grid=(nb,),
        in_specs=[
            pl.BlockSpec((NC, rb, D), lambda i: (0, i, 0)),
            pl.BlockSpec((NC, rb, 1), lambda i: (0, i, 0)),
            pl.BlockSpec((rb, D), lambda i: (i, 0)),
            pl.BlockSpec((D, D), lambda i: (0, 0)),
            pl.BlockSpec((D,), lambda i: (0,)),
        ],
        out_specs=pl.BlockSpec((rb, D), lambda i: (i, 0)),
        out_shape=jax.ShapeDtypeStruct((N, D), jnp.float32),
    )(msum, deg, x, W_self, b_self)


def kernel(x, edge_index, edge_attr, W_edge, W_ne, b_ne, W_self, b_self):
    W1 = W_ne[:D, :]
    W2 = W_ne[D:, :]
    xh, W2e = _prep(x, W1, b_ne, W_edge, W2)
    eh2 = _eh2(edge_attr, W2e)
    ei_flat = edge_index.reshape(2 * E)
    msum, deg = _sc_call(xh, eh2, ei_flat)
    deg2 = deg.reshape(NC, NPAD, 1)
    return _combine(msum, deg2, x, W_self, b_self)

# --- scband reference (transcript-rebuilt; emitter-appended) ---
"""Pipeline reference for scband-rel-sageconv-11897059410189 (READ-ONLY COPY).

The authoritative reference and input builder live on the scoring server;
editing this copy changes nothing except your own understanding.
"""

import jax, jax.numpy as jnp
import numpy as np

N = 10000
E = 320000
D_IN = 128
D_EDGE = 16
D_OUT = 128


def setup_inputs(seed: int = 0) -> dict:
    key = jax.random.key(seed)
    ks = jax.random.split(key, 8)
    x = jax.random.normal(ks[0], (N, D_IN), dtype=jnp.float32)
    edge_index = jax.random.randint(ks[1], (2, E), 0, N, dtype=jnp.int32)
    edge_attr = jax.random.normal(ks[2], (E, D_EDGE), dtype=jnp.float32)
    # edge_map: Linear(edge_dim -> out_dim, bias=False); store as [D_EDGE, D_OUT]
    W_edge = jax.random.normal(ks[3], (D_EDGE, D_OUT), dtype=jnp.float32) / np.sqrt(D_EDGE)
    # fc_neigh_edge: Linear(in_dim + out_dim -> out_dim)
    W_ne = jax.random.normal(ks[4], (D_IN + D_OUT, D_OUT), dtype=jnp.float32) / np.sqrt(D_IN + D_OUT)
    b_ne = jnp.zeros((D_OUT,), dtype=jnp.float32)
    # fc_self: Linear(in_dim -> out_dim)
    W_self = jax.random.normal(ks[5], (D_IN, D_OUT), dtype=jnp.float32) / np.sqrt(D_IN)
    b_self = jnp.zeros((D_OUT,), dtype=jnp.float32)
    return {
        'x': x,
        'edge_index': edge_index,
        'edge_attr': edge_attr,
        'W_edge': W_edge,
        'W_ne': W_ne,
        'b_ne': b_ne,
        'W_self': W_self,
        'b_self': b_self,
    }


def reference(x, edge_index, edge_attr, W_edge, W_ne, b_ne, W_self, b_self):
    src = edge_index[0]
    dst = edge_index[1]
    # message function: per-edge
    src_h = jnp.take(x, src, axis=0)                 # gather [E, D_IN]
    eh = edge_attr @ W_edge                          # [E, D_OUT]
    ne_feat = jnp.concatenate([src_h, eh], axis=1)   # [E, D_IN + D_OUT]
    m = jax.nn.relu(ne_feat @ W_ne + b_ne)           # [E, D_OUT]
    # mean aggregation by destination node (DGL fn.mean); zero in-degree -> 0
    msum = jax.ops.segment_sum(m, dst, num_segments=N)
    deg = jax.ops.segment_sum(jnp.ones((E,), dtype=jnp.float32), dst, num_segments=N)
    neigh = msum / jnp.maximum(deg, 1.0)[:, None]
    self_feat = x @ W_self + b_self
    return neigh + self_feat

if __name__ == "__main__":
    import jax
    _d = setup_inputs()
    print(jax.jit(kernel)(*tuple(_d.values())))

</pallas_src>

<mosaic_0001>
#map = affine_map<(d0, d1) -> (0, 0)>
#map1 = affine_map<(d0, d1) -> (0)>
#map2 = affine_map<(d0, d1) -> (0, 0, 0)>
module attributes {stable_mosaic.version = 14 : i64} {
  func.func @_sc_body(%arg0: i32, %arg1: i32, %arg2: memref<10000x128xf32, #tpu.memory_space<hbm>>, %arg3: memref<320000x128xf32, #tpu.memory_space<hbm>>, %arg4: memref<640000xi32, #tpu.memory_space<hbm>>, %arg5: memref<2x10240x128xf32, #tpu.memory_space<hbm>>, %arg6: memref<20480xf32, #tpu.memory_space<hbm>>, %arg7: memref<80xi32, #tpu.memory_space<vmem>>, %arg8: memref<80xi32, #tpu.memory_space<vmem>>, %arg9: memref<80xi32, #tpu.memory_space<vmem>>, %arg10: memref<80xi32, #tpu.memory_space<vmem>>, %arg11: memref<80x128xf32, #tpu.memory_space<vmem>>, %arg12: memref<80x128xf32, #tpu.memory_space<vmem>>, %arg13: memref<80x128xf32, #tpu.memory_space<vmem>>, %arg14: memref<80x128xf32, #tpu.memory_space<vmem>>, %arg15: memref<80xf32, #tpu.memory_space<vmem>>, %arg16: memref<2048xf32, #tpu.memory_space<vmem>>, %arg17: memref<10240x128xf32, #tpu.memory_space<vmem_shared>>, %arg18: memref<10240xf32, #tpu.memory_space<vmem_shared>>, %arg19: memref<!tpu.dma_semaphore, #tpu.memory_space<semaphore_mem>>, %arg20: memref<!tpu.dma_semaphore, #tpu.memory_space<semaphore_mem>>, %arg21: memref<!tpu.dma_semaphore, #tpu.memory_space<semaphore_mem>>, %arg22: memref<!tpu.dma_semaphore, #tpu.memory_space<semaphore_mem>>, %arg23: memref<!tpu.dma_semaphore, #tpu.memory_space<semaphore_mem>>) attributes {dimension_semantics = [#tpu.dimension_semantics<core_parallel>, #tpu.dimension_semantics<subcore_parallel>], iteration_bounds = array<i64: 2, 16>, scalar_prefetch = 0 : i64, scratch_operands = 17 : i64, tpu.core_type = #tpu.core_type<sc_vector_subcore>, window_params = [{transform_indices = #map}, {transform_indices = #map}, {transform_indices = #map1}, {transform_indices = #map2}, {transform_indices = #map1}]} {
    %mul3A = arith.constant 16 : i32
    %mul3A_0 = arith.muli %arg0, %mul3A : i32
    %add3A = arith.addi %mul3A_0, %arg1 : i32
    %broadcast_in_dim3A = arith.constant 0.000000e+00 : f32
    %broadcast_in_dim3A_1 = vector.broadcast %broadcast_in_dim3A : f32 to vector<16xf32>
    %broadcast_in_dim3A_2 = arith.constant 1.000000e+00 : f32
    %broadcast_in_dim3A_3 = vector.broadcast %broadcast_in_dim3A_2 : f32 to vector<16xf32>
    %scan3A = arith.constant 0 : i32
    %scan3A_4 = arith.constant 80 : i32
    %scan3A_5 = arith.addi %scan3A, %scan3A_4 : i32
    %scan3A_6 = arith.constant 1 : i32
    scf.for %scan3A_317 = %scan3A to %scan3A_5 step %scan3A_6  : i32 {
      %mul3A_318 = arith.constant 1 : i32
      %mul3A_319 = arith.muli %scan3A_317, %mul3A_318 : i32
      %add3A_320 = arith.constant 0 : i32
      %add3A_321 = arith.addi %add3A_320, %mul3A_319 : i32
      %swap3A_322 = arith.index_cast %add3A_321 : i32 to index
      %swap3A_323 = arith.constant 0 : index
      %swap3A_324 = tpu.vector_load %arg11[%swap3A_322, %swap3A_323] {strides = array<i32>} : memref<80x128xf32, #tpu.memory_space<vmem>>, vector<1x16xf32>,
      %swap3A_325 = vector.shape_cast %swap3A_324 : vector<1x16xf32> to vector<16xf32>
      %swap3A_326 = vector.shape_cast %broadcast_in_dim3A_1 : vector<16xf32> to vector<1x16xf32>
      tpu.vector_store %arg11[%swap3A_322, %swap3A_323], %swap3A_326 {strides = array<i32>} : memref<80x128xf32, #tpu.memory_space<vmem>>, vector<1x16xf32>,
      %swap3A_327 = arith.index_cast %add3A_321 : i32 to index
      %swap3A_328 = arith.constant 16 : index
      %swap3A_329 = tpu.vector_load %arg11[%swap3A_327, %swap3A_328] {strides = array<i32>} : memref<80x128xf32, #tpu.memory_space<vmem>>, vector<1x16xf32>,
      %swap3A_330 = vector.shape_cast %swap3A_329 : vector<1x16xf32> to vector<16xf32>
      %swap3A_331 = vector.shape_cast %broadcast_in_dim3A_1 : vector<16xf32> to vector<1x16xf32>
      tpu.vector_store %arg11[%swap3A_327, %swap3A_328], %swap3A_331 {strides = array<i32>} : memref<80x128xf32, #tpu.memory_space<vmem>>, vector<1x16xf32>,
      %swap3A_332 = arith.index_cast %add3A_321 : i32 to index
      %swap3A_333 = arith.constant 32 : index
      %swap3A_334 = tpu.vector_load %arg11[%swap3A_332, %swap3A_333] {strides = array<i32>} : memref<80x128xf32, #tpu.memory_space<vmem>>, vector<1x16xf32>,
      %swap3A_335 = vector.shape_cast %swap3A_334 : vector<1x16xf32> to vector<16xf32>
      %swap3A_336 = vector.shape_cast %broadcast_in_dim3A_1 : vector<16xf32> to vector<1x16xf32>
      tpu.vector_store %arg11[%swap3A_332, %swap3A_333], %swap3A_336 {strides = array<i32>} : memref<80x128xf32, #tpu.memory_space<vmem>>, vector<1x16xf32>,
      %swap3A_337 = arith.index_cast %add3A_321 : i32 to index
      %swap3A_338 = arith.constant 48 : index
      %swap3A_339 = tpu.vector_load %arg11[%swap3A_337, %swap3A_338] {strides = array<i32>} : memref<80x128xf32, #tpu.memory_space<vmem>>, vector<1x16xf32>,
      %swap3A_340 = vector.shape_cast %swap3A_339 : vector<1x16xf32> to vector<16xf32>
      %swap3A_341 = vector.shape_cast %broadcast_in_dim3A_1 : vector<16xf32> to vector<1x16xf32>
      tpu.vector_store %arg11[%swap3A_337, %swap3A_338], %swap3A_341 {strides = array<i32>} : memref<80x128xf32, #tpu.memory_space<vmem>>, vector<1x16xf32>,
      %swap3A_342 = arith.index_cast %add3A_321 : i32 to index
      %swap3A_343 = arith.constant 64 : index
      %swap3A_344 = tpu.vector_load %arg11[%swap3A_342, %swap3A_343] {strides = array<i32>} : memref<80x128xf32, #tpu.memory_space<vmem>>, vector<1x16xf32>,
      %swap3A_345 = vector.shape_cast %swap3A_344 : vector<1x16xf32> to vector<16xf32>
      %swap3A_346 = vector.shape_cast %broadcast_in_dim3A_1 : vector<16xf32> to vector<1x16xf32>
      tpu.vector_store %arg11[%swap3A_342, %swap3A_343], %swap3A_346 {strides = array<i32>} : memref<80x128xf32, #tpu.memory_space<vmem>>, vector<1x16xf32>,
      %swap3A_347 = arith.index_cast %add3A_321 : i32 to index
      %swap3A_348 = arith.constant 80 : index
      %swap3A_349 = tpu.vector_load %arg11[%swap3A_347, %swap3A_348] {strides = array<i32>} : memref<80x128xf32, #tpu.memory_space<vmem>>, vector<1x16xf32>,
      %swap3A_350 = vector.shape_cast %swap3A_349 : vector<1x16xf32> to vector<16xf32>
      %swap3A_351 = vector.shape_cast %broadcast_in_dim3A_1 : vector<16xf32> to vector<1x16xf32>
      tpu.vector_store %arg11[%swap3A_347, %swap3A_348], %swap3A_351 {strides = array<i32>} : memref<80x128xf32, #tpu.memory_space<vmem>>, vector<1x16xf32>,
      %swap3A_352 = arith.index_cast %add3A_321 : i32 to index
      %swap3A_353 = arith.constant 96 : index
      %swap3A_354 = tpu.vector_load %arg11[%swap3A_352, %swap3A_353] {strides = array<i32>} : memref<80x128xf32, #tpu.memory_space<vmem>>, vector<1x16xf32>,
      %swap3A_355 = vector.shape_cast %swap3A_354 : vector<1x16xf32> to vector<16xf32>
      %swap3A_356 = vector.shape_cast %broadcast_in_dim3A_1 : vector<16xf32> to vector<1x16xf32>
      tpu.vector_store %arg11[%swap3A_352, %swap3A_353], %swap3A_356 {strides = array<i32>} : memref<80x128xf32, #tpu.memory_space<vmem>>, vector<1x16xf32>,
      %swap3A_357 = arith.index_cast %add3A_321 : i32 to index
      %swap3A_358 = arith.constant 112 : index
      %swap3A_359 = tpu.vector_load %arg11[%swap3A_357, %swap3A_358] {strides = array<i32>} : memref<80x128xf32, #tpu.memory_space<vmem>>, vector<1x16xf32>,
      %swap3A_360 = vector.shape_cast %swap3A_359 : vector<1x16xf32> to vector<16xf32>
      %swap3A_361 = vector.shape_cast %broadcast_in_dim3A_1 : vector<16xf32> to vector<1x16xf32>
      tpu.vector_store %arg11[%swap3A_357, %swap3A_358], %swap3A_361 {strides = array<i32>} : memref<80x128xf32, #tpu.memory_space<vmem>>, vector<1x16xf32>,
    }
    %scan3A_7 = arith.constant 80 : i32
    %scan3A_8 = arith.constant 0 : i32
    %scan3A_9 = arith.constant 128 : i32
    %scan3A_10 = arith.addi %scan3A_8, %scan3A_9 : i32
    %scan3A_11 = arith.constant 1 : i32
    scf.for %scan3A_317 = %scan3A_8 to %scan3A_10 step %scan3A_11  : i32 {
      %mul3A_318 = arith.constant 1 : i32
      %mul3A_319 = arith.muli %scan3A_317, %mul3A_318 : i32
      %add3A_320 = arith.constant 0 : i32
      %add3A_321 = arith.addi %add3A_320, %mul3A_319 : i32
      %mul3A_322 = arith.constant 16 : i32
      %mul3A_323 = arith.muli %add3A_321, %mul3A_322 : i32
      %swap3A_324 = arith.index_cast %mul3A_323 : i32 to index
      %swap3A_325 = tpu.vector_load %arg16[%swap3A_324] {strides = array<i32>} : memref<2048xf32, #tpu.memory_space<vmem>>, vector<16xf32>,
      %swap3A_326 = vector.shape_cast %swap3A_325 : vector<16xf32> to vector<16xf32>
      %swap3A_327 = vector.shape_cast %broadcast_in_dim3A_1 : vector<16xf32> to vector<16xf32>
      tpu.vector_store %arg16[%swap3A_324], %swap3A_327 {strides = array<i32>} : memref<2048xf32, #tpu.memory_space<vmem>>, vector<16xf32>,
    }
    %scan3A_12 = arith.constant 128 : i32
    %swap3A = arith.constant 0 : index
    %swap3A_13 = tpu.vector_load %arg15[%swap3A] {strides = array<i32>} : memref<80xf32, #tpu.memory_space<vmem>>, vector<16xf32>,
    %swap3A_14 = vector.shape_cast %swap3A_13 : vector<16xf32> to vector<16xf32>
    %swap3A_15 = vector.shape_cast %broadcast_in_dim3A_3 : vector<16xf32> to vector<16xf32>
    tpu.vector_store %arg15[%swap3A], %swap3A_15 {strides = array<i32>} : memref<80xf32, #tpu.memory_space<vmem>>, vector<16xf32>,
    %swap3A_16 = arith.constant 16 : index
    %swap3A_17 = tpu.vector_load %arg15[%swap3A_16] {strides = array<i32>} : memref<80xf32, #tpu.memory_space<vmem>>, vector<16xf32>,
    %swap3A_18 = vector.shape_cast %swap3A_17 : vector<16xf32> to vector<16xf32>
    %swap3A_19 = vector.shape_cast %broadcast_in_dim3A_3 : vector<16xf32> to vector<16xf32>
    tpu.vector_store %arg15[%swap3A_16], %swap3A_19 {strides = array<i32>} : memref<80xf32, #tpu.memory_space<vmem>>, vector<16xf32>,
    %swap3A_20 = arith.constant 32 : index
    %swap3A_21 = tpu.vector_load %arg15[%swap3A_20] {strides = array<i32>} : memref<80xf32, #tpu.memory_space<vmem>>, vector<16xf32>,
    %swap3A_22 = vector.shape_cast %swap3A_21 : vector<16xf32> to vector<16xf32>
    %swap3A_23 = vector.shape_cast %broadcast_in_dim3A_3 : vector<16xf32> to vector<16xf32>
    tpu.vector_store %arg15[%swap3A_20], %swap3A_23 {strides = array<i32>} : memref<80xf32, #tpu.memory_space<vmem>>, vector<16xf32>,
    %swap3A_24 = arith.constant 48 : index
    %swap3A_25 = tpu.vector_load %arg15[%swap3A_24] {strides = array<i32>} : memref<80xf32, #tpu.memory_space<vmem>>, vector<16xf32>,
    %swap3A_26 = vector.shape_cast %swap3A_25 : vector<16xf32> to vector<16xf32>
    %swap3A_27 = vector.shape_cast %broadcast_in_dim3A_3 : vector<16xf32> to vector<16xf32>
    tpu.vector_store %arg15[%swap3A_24], %swap3A_27 {strides = array<i32>} : memref<80xf32, #tpu.memory_space<vmem>>, vector<16xf32>,
    %swap3A_28 = arith.constant 64 : index
    %swap3A_29 = tpu.vector_load %arg15[%swap3A_28] {strides = array<i32>} : memref<80xf32, #tpu.memory_space<vmem>>, vector<16xf32>,
    %swap3A_30 = vector.shape_cast %swap3A_29 : vector<16xf32> to vector<16xf32>
    %swap3A_31 = vector.shape_cast %broadcast_in_dim3A_3 : vector<16xf32> to vector<16xf32>
    tpu.vector_store %arg15[%swap3A_28], %swap3A_31 {strides = array<i32>} : memref<80xf32, #tpu.memory_space<vmem>>, vector<16xf32>,
    %mul3A_32 = arith.constant 640 : i32
    %mul3A_33 = arith.muli %arg1, %mul3A_32 : i32
    %add3A_34 = arith.constant 0 : i32
    %add3A_35 = arith.addi %mul3A_33, %add3A_34 : i32
    %dma_start3A = arith.constant 0 : i32
    %dma_start3A_36 = tpu.memref_slice %arg17[%add3A_35, %dma_start3A] : memref<10240x128xf32, #tpu.memory_space<vmem_shared>> -> memref<80x128xf32, #tpu.memory_space<vmem_shared>>
    %dma_start3A_37 = arith.constant 0 : i32
    %dma_start3A_38 = tpu.memref_slice %arg17[%add3A_35, %dma_start3A_37] : memref<10240x128xf32, #tpu.memory_space<vmem_shared>> -> memref<80x128xf32, #tpu.memory_space<vmem_shared>>
    tpu.enqueue_dma source(%arg11 : memref<80x128xf32, #tpu.memory_space<vmem>>) target(%dma_start3A_38 : memref<80x128xf32, #tpu.memory_space<vmem_shared>>) target_semaphore(%arg21 : memref<!tpu.dma_semaphore, #tpu.memory_space<semaphore_mem>>)
    %mul3A_39 = arith.constant 640 : i32
    %mul3A_40 = arith.muli %arg1, %mul3A_39 : i32
    %add3A_41 = arith.constant 80 : i32
    %add3A_42 = arith.addi %mul3A_40, %add3A_41 : i32
    %dma_start3A_43 = arith.constant 0 : i32
    %dma_start3A_44 = tpu.memref_slice %arg17[%add3A_42, %dma_start3A_43] : memref<10240x128xf32, #tpu.memory_space<vmem_shared>> -> memref<80x128xf32, #tpu.memory_space<vmem_shared>>
    %dma_start3A_45 = arith.constant 0 : i32
    %dma_start3A_46 = tpu.memref_slice %arg17[%add3A_42, %dma_start3A_45] : memref<10240x128xf32, #tpu.memory_space<vmem_shared>> -> memref<80x128xf32, #tpu.memory_space<vmem_shared>>
    tpu.enqueue_dma source(%arg11 : memref<80x128xf32, #tpu.memory_space<vmem>>) target(%dma_start3A_46 : memref<80x128xf32, #tpu.memory_space<vmem_shared>>) target_semaphore(%arg21 : memref<!tpu.dma_semaphore, #tpu.memory_space<semaphore_mem>>)
    %mul3A_47 = arith.constant 640 : i32
    %mul3A_48 = arith.muli %arg1, %mul3A_47 : i32
    %add3A_49 = arith.constant 160 : i32
    %add3A_50 = arith.addi %mul3A_48, %add3A_49 : i32
    %dma_start3A_51 = arith.constant 0 : i32
    %dma_start3A_52 = tpu.memref_slice %arg17[%add3A_50, %dma_start3A_51] : memref<10240x128xf32, #tpu.memory_space<vmem_shared>> -> memref<80x128xf32, #tpu.memory_space<vmem_shared>>
    %dma_start3A_53 = arith.constant 0 : i32
    %dma_start3A_54 = tpu.memref_slice %arg17[%add3A_50, %dma_start3A_53] : memref<10240x128xf32, #tpu.memory_space<vmem_shared>> -> memref<80x128xf32, #tpu.memory_space<vmem_shared>>
    tpu.enqueue_dma source(%arg11 : memref<80x128xf32, #tpu.memory_space<vmem>>) target(%dma_start3A_54 : memref<80x128xf32, #tpu.memory_space<vmem_shared>>) target_semaphore(%arg21 : memref<!tpu.dma_semaphore, #tpu.memory_space<semaphore_mem>>)
    %mul3A_55 = arith.constant 640 : i32
    %mul3A_56 = arith.muli %arg1, %mul3A_55 : i32
    %add3A_57 = arith.constant 240 : i32
    %add3A_58 = arith.addi %mul3A_56, %add3A_57 : i32
    %dma_start3A_59 = arith.constant 0 : i32
    %dma_start3A_60 = tpu.memref_slice %arg17[%add3A_58, %dma_start3A_59] : memref<10240x128xf32, #tpu.memory_space<vmem_shared>> -> memref<80x128xf32, #tpu.memory_space<vmem_shared>>
    %dma_start3A_61 = arith.constant 0 : i32
    %dma_start3A_62 = tpu.memref_slice %arg17[%add3A_58, %dma_start3A_61] : memref<10240x128xf32, #tpu.memory_space<vmem_shared>> -> memref<80x128xf32, #tpu.memory_space<vmem_shared>>
    tpu.enqueue_dma source(%arg11 : memref<80x128xf32, #tpu.memory_space<vmem>>) target(%dma_start3A_62 : memref<80x128xf32, #tpu.memory_space<vmem_shared>>) target_semaphore(%arg21 : memref<!tpu.dma_semaphore, #tpu.memory_space<semaphore_mem>>)
    %mul3A_63 = arith.constant 640 : i32
    %mul3A_64 = arith.muli %arg1, %mul3A_63 : i32
    %add3A_65 = arith.constant 320 : i32
    %add3A_66 = arith.addi %mul3A_64, %add3A_65 : i32
    %dma_start3A_67 = arith.constant 0 : i32
    %dma_start3A_68 = tpu.memref_slice %arg17[%add3A_66, %dma_start3A_67] : memref<10240x128xf32, #tpu.memory_space<vmem_shared>> -> memref<80x128xf32, #tpu.memory_space<vmem_shared>>
    %dma_start3A_69 = arith.constant 0 : i32
    %dma_start3A_70 = tpu.memref_slice %arg17[%add3A_66, %dma_start3A_69] : memref<10240x128xf32, #tpu.memory_space<vmem_shared>> -> memref<80x128xf32, #tpu.memory_space<vmem_shared>>
    tpu.enqueue_dma source(%arg11 : memref<80x128xf32, #tpu.memory_space<vmem>>) target(%dma_start3A_70 : memref<80x128xf32, #tpu.memory_space<vmem_shared>>) target_semaphore(%arg21 : memref<!tpu.dma_semaphore, #tpu.memory_space<semaphore_mem>>)
    %mul3A_71 = arith.constant 640 : i32
    %mul3A_72 = arith.muli %arg1, %mul3A_71 : i32
    %add3A_73 = arith.constant 400 : i32
    %add3A_74 = arith.addi %mul3A_72, %add3A_73 : i32
    %dma_start3A_75 = arith.constant 0 : i32
    %dma_start3A_76 = tpu.memref_slice %arg17[%add3A_74, %dma_start3A_75] : memref<10240x128xf32, #tpu.memory_space<vmem_shared>> -> memref<80x128xf32, #tpu.memory_space<vmem_shared>>
    %dma_start3A_77 = arith.constant 0 : i32
    %dma_start3A_78 = tpu.memref_slice %arg17[%add3A_74, %dma_start3A_77] : memref<10240x128xf32, #tpu.memory_space<vmem_shared>> -> memref<80x128xf32, #tpu.memory_space<vmem_shared>>
    tpu.enqueue_dma source(%arg11 : memref<80x128xf32, #tpu.memory_space<vmem>>) target(%dma_start3A_78 : memref<80x128xf32, #tpu.memory_space<vmem_shared>>) target_semaphore(%arg21 : memref<!tpu.dma_semaphore, #tpu.memory_space<semaphore_mem>>)
    %mul3A_79 = arith.constant 640 : i32
    %mul3A_80 = arith.muli %arg1, %mul3A_79 : i32
    %add3A_81 = arith.constant 480 : i32
    %add3A_82 = arith.addi %mul3A_80, %add3A_81 : i32
    %dma_start3A_83 = arith.constant 0 : i32
    %dma_start3A_84 = tpu.memref_slice %arg17[%add3A_82, %dma_start3A_83] : memref<10240x128xf32, #tpu.memory_space<vmem_shared>> -> memref<80x128xf32, #tpu.memory_space<vmem_shared>>
    %dma_start3A_85 = arith.constant 0 : i32
    %dma_start3A_86 = tpu.memref_slice %arg17[%add3A_82, %dma_start3A_85] : memref<10240x128xf32, #tpu.memory_space<vmem_shared>> -> memref<80x128xf32, #tpu.memory_space<vmem_shared>>
    tpu.enqueue_dma source(%arg11 : memref<80x128xf32, #tpu.memory_space<vmem>>) target(%dma_start3A_86 : memref<80x128xf32, #tpu.memory_space<vmem_shared>>) target_semaphore(%arg21 : memref<!tpu.dma_semaphore, #tpu.memory_space<semaphore_mem>>)
    %mul3A_87 = arith.constant 640 : i32
    %mul3A_88 = arith.muli %arg1, %mul3A_87 : i32
    %add3A_89 = arith.constant 560 : i32
    %add3A_90 = arith.addi %mul3A_88, %add3A_89 : i32
    %dma_start3A_91 = arith.constant 0 : i32
    %dma_start3A_92 = tpu.memref_slice %arg17[%add3A_90, %dma_start3A_91] : memref<10240x128xf32, #tpu.memory_space<vmem_shared>> -> memref<80x128xf32, #tpu.memory_space<vmem_shared>>
    %dma_start3A_93 = arith.constant 0 : i32
    %dma_start3A_94 = tpu.memref_slice %arg17[%add3A_90, %dma_start3A_93] : memref<10240x128xf32, #tpu.memory_space<vmem_shared>> -> memref<80x128xf32, #tpu.memory_space<vmem_shared>>
    tpu.enqueue_dma source(%arg11 : memref<80x128xf32, #tpu.memory_space<vmem>>) target(%dma_start3A_94 : memref<80x128xf32, #tpu.memory_space<vmem_shared>>) target_semaphore(%arg21 : memref<!tpu.dma_semaphore, #tpu.memory_space<semaphore_mem>>)
    %mul3A_95 = arith.constant 640 : i32
    %mul3A_96 = arith.muli %arg1, %mul3A_95 : i32
    %add3A_97 = arith.constant 0 : i32
    %add3A_98 = arith.addi %mul3A_96, %add3A_97 : i32
    %dma_wait3A = arith.constant 0 : i32
    %dma_wait3A_99 = tpu.memref_slice %arg17[%add3A_98, %dma_wait3A] : memref<10240x128xf32, #tpu.memory_space<vmem_shared>> -> memref<80x128xf32, #tpu.memory_space<vmem_shared>>
    %dma_wait3A_100 = arith.constant 0 : i32
    %dma_wait3A_101 = tpu.memref_slice %arg17[%add3A_98, %dma_wait3A_100] : memref<10240x128xf32, #tpu.memory_space<vmem_shared>> -> memref<80x128xf32, #tpu.memory_space<vmem_shared>>
    tpu.wait_dma2 semaphore(%arg21 : memref<!tpu.dma_semaphore, #tpu.memory_space<semaphore_mem>>) src(%arg11 : memref<80x128xf32, #tpu.memory_space<vmem>>) dst(%dma_wait3A_101 : memref<80x128xf32, #tpu.memory_space<vmem_shared>>)
    %mul3A_102 = arith.constant 640 : i32
    %mul3A_103 = arith.muli %arg1, %mul3A_102 : i32
    %add3A_104 = arith.constant 80 : i32
    %add3A_105 = arith.addi %mul3A_103, %add3A_104 : i32
    %dma_wait3A_106 = arith.constant 0 : i32
    %dma_wait3A_107 = tpu.memref_slice %arg17[%add3A_105, %dma_wait3A_106] : memref<10240x128xf32, #tpu.memory_space<vmem_shared>> -> memref<80x128xf32, #tpu.memory_space<vmem_shared>>
    %dma_wait3A_108 = arith.constant 0 : i32
    %dma_wait3A_109 = tpu.memref_slice %arg17[%add3A_105, %dma_wait3A_108] : memref<10240x128xf32, #tpu.memory_space<vmem_shared>> -> memref<80x128xf32, #tpu.memory_space<vmem_shared>>
    tpu.wait_dma2 semaphore(%arg21 : memref<!tpu.dma_semaphore, #tpu.memory_space<semaphore_mem>>) src(%arg11 : memref<80x128xf32, #tpu.memory_space<vmem>>) dst(%dma_wait3A_109 : memref<80x128xf32, #tpu.memory_space<vmem_shared>>)
    %mul3A_110 = arith.constant 640 : i32
    %mul3A_111 = arith.muli %arg1, %mul3A_110 : i32
    %add3A_112 = arith.constant 160 : i32
    %add3A_113 = arith.addi %mul3A_111, %add3A_112 : i32
    %dma_wait3A_114 = arith.constant 0 : i32
    %dma_wait3A_115 = tpu.memref_slice %arg17[%add3A_113, %dma_wait3A_114] : memref<10240x128xf32, #tpu.memory_space<vmem_shared>> -> memref<80x128xf32, #tpu.memory_space<vmem_shared>>
    %dma_wait3A_116 = arith.constant 0 : i32
    %dma_wait3A_117 = tpu.memref_slice %arg17[%add3A_113, %dma_wait3A_116] : memref<10240x128xf32, #tpu.memory_space<vmem_shared>> -> memref<80x128xf32, #tpu.memory_space<vmem_shared>>
    tpu.wait_dma2 semaphore(%arg21 : memref<!tpu.dma_semaphore, #tpu.memory_space<semaphore_mem>>) src(%arg11 : memref<80x128xf32, #tpu.memory_space<vmem>>) dst(%dma_wait3A_117 : memref<80x128xf32, #tpu.memory_space<vmem_shared>>)
    %mul3A_118 = arith.constant 640 : i32
    %mul3A_119 = arith.muli %arg1, %mul3A_118 : i32
    %add3A_120 = arith.constant 240 : i32
    %add3A_121 = arith.addi %mul3A_119, %add3A_120 : i32
    %dma_wait3A_122 = arith.constant 0 : i32
    %dma_wait3A_123 = tpu.memref_slice %arg17[%add3A_121, %dma_wait3A_122] : memref<10240x128xf32, #tpu.memory_space<vmem_shared>> -> memref<80x128xf32, #tpu.memory_space<vmem_shared>>
    %dma_wait3A_124 = arith.constant 0 : i32
    %dma_wait3A_125 = tpu.memref_slice %arg17[%add3A_121, %dma_wait3A_124] : memref<10240x128xf32, #tpu.memory_space<vmem_shared>> -> memref<80x128xf32, #tpu.memory_space<vmem_shared>>
    tpu.wait_dma2 semaphore(%arg21 : memref<!tpu.dma_semaphore, #tpu.memory_space<semaphore_mem>>) src(%arg11 : memref<80x128xf32, #tpu.memory_space<vmem>>) dst(%dma_wait3A_125 : memref<80x128xf32, #tpu.memory_space<vmem_shared>>)
    %mul3A_126 = arith.constant 640 : i32
    %mul3A_127 = arith.muli %arg1, %mul3A_126 : i32
    %add3A_128 = arith.constant 320 : i32
    %add3A_129 = arith.addi %mul3A_127, %add3A_128 : i32
    %dma_wait3A_130 = arith.constant 0 : i32
    %dma_wait3A_131 = tpu.memref_slice %arg17[%add3A_129, %dma_wait3A_130] : memref<10240x128xf32, #tpu.memory_space<vmem_shared>> -> memref<80x128xf32, #tpu.memory_space<vmem_shared>>
    %dma_wait3A_132 = arith.constant 0 : i32
    %dma_wait3A_133 = tpu.memref_slice %arg17[%add3A_129, %dma_wait3A_132] : memref<10240x128xf32, #tpu.memory_space<vmem_shared>> -> memref<80x128xf32, #tpu.memory_space<vmem_shared>>
    tpu.wait_dma2 semaphore(%arg21 : memref<!tpu.dma_semaphore, #tpu.memory_space<semaphore_mem>>) src(%arg11 : memref<80x128xf32, #tpu.memory_space<vmem>>) dst(%dma_wait3A_133 : memref<80x128xf32, #tpu.memory_space<vmem_shared>>)
    %mul3A_134 = arith.constant 640 : i32
    %mul3A_135 = arith.muli %arg1, %mul3A_134 : i32
    %add3A_136 = arith.constant 400 : i32
    %add3A_137 = arith.addi %mul3A_135, %add3A_136 : i32
    %dma_wait3A_138 = arith.constant 0 : i32
    %dma_wait3A_139 = tpu.memref_slice %arg17[%add3A_137, %dma_wait3A_138] : memref<10240x128xf32, #tpu.memory_space<vmem_shared>> -> memref<80x128xf32, #tpu.memory_space<vmem_shared>>
    %dma_wait3A_140 = arith.constant 0 : i32
    %dma_wait3A_141 = tpu.memref_slice %arg17[%add3A_137, %dma_wait3A_140] : memref<10240x128xf32, #tpu.memory_space<vmem_shared>> -> memref<80x128xf32, #tpu.memory_space<vmem_shared>>
    tpu.wait_dma2 semaphore(%arg21 : memref<!tpu.dma_semaphore, #tpu.memory_space<semaphore_mem>>) src(%arg11 : memref<80x128xf32, #tpu.memory_space<vmem>>) dst(%dma_wait3A_141 : memref<80x128xf32, #tpu.memory_space<vmem_shared>>)
    %mul3A_142 = arith.constant 640 : i32
    %mul3A_143 = arith.muli %arg1, %mul3A_142 : i32
    %add3A_144 = arith.constant 480 : i32
    %add3A_145 = arith.addi %mul3A_143, %add3A_144 : i32
    %dma_wait3A_146 = arith.constant 0 : i32
    %dma_wait3A_147 = tpu.memref_slice %arg17[%add3A_145, %dma_wait3A_146] : memref<10240x128xf32, #tpu.memory_space<vmem_shared>> -> memref<80x128xf32, #tpu.memory_space<vmem_shared>>
    %dma_wait3A_148 = arith.constant 0 : i32
    %dma_wait3A_149 = tpu.memref_slice %arg17[%add3A_145, %dma_wait3A_148] : memref<10240x128xf32, #tpu.memory_space<vmem_shared>> -> memref<80x128xf32, #tpu.memory_space<vmem_shared>>
    tpu.wait_dma2 semaphore(%arg21 : memref<!tpu.dma_semaphore, #tpu.memory_space<semaphore_mem>>) src(%arg11 : memref<80x128xf32, #tpu.memory_space<vmem>>) dst(%dma_wait3A_149 : memref<80x128xf32, #tpu.memory_space<vmem_shared>>)
    %mul3A_150 = arith.constant 640 : i32
    %mul3A_151 = arith.muli %arg1, %mul3A_150 : i32
    %add3A_152 = arith.constant 560 : i32
    %add3A_153 = arith.addi %mul3A_151, %add3A_152 : i32
    %dma_wait3A_154 = arith.constant 0 : i32
    %dma_wait3A_155 = tpu.memref_slice %arg17[%add3A_153, %dma_wait3A_154] : memref<10240x128xf32, #tpu.memory_space<vmem_shared>> -> memref<80x128xf32, #tpu.memory_space<vmem_shared>>
    %dma_wait3A_156 = arith.constant 0 : i32
    %dma_wait3A_157 = tpu.memref_slice %arg17[%add3A_153, %dma_wait3A_156] : memref<10240x128xf32, #tpu.memory_space<vmem_shared>> -> memref<80x128xf32, #tpu.memory_space<vmem_shared>>
    tpu.wait_dma2 semaphore(%arg21 : memref<!tpu.dma_semaphore, #tpu.memory_space<semaphore_mem>>) src(%arg11 : memref<80x128xf32, #tpu.memory_space<vmem>>) dst(%dma_wait3A_157 : memref<80x128xf32, #tpu.memory_space<vmem_shared>>)
    %eq3A = arith.constant 0 : i32
    %eq3A_158 = arith.cmpi eq, %arg1, %eq3A : i32
    %convert_element_type3A = arith.extui %eq3A_158 : i1 to i32
    %cond3A = arith.constant 0 : i32
    %cond3A_159 = arith.cmpi ne, %convert_element_type3A, %cond3A : i32
    scf.if %cond3A_159 {
      "tpu.region"() ({
        %run_scoped3A = tpu.sem_alloc : memref<!tpu.dma_semaphore, #tpu.memory_space<semaphore_mem>>
        %dma_start3A_317 = arith.constant 0 : i32
        %dma_start3A_318 = tpu.memref_slice %arg18[%dma_start3A_317] : memref<10240xf32, #tpu.memory_space<vmem_shared>> -> memref<2048xf32, #tpu.memory_space<vmem_shared>>
        %dma_start3A_319 = arith.constant 0 : i32
        %dma_start3A_320 = tpu.memref_slice %arg18[%dma_start3A_319] : memref<10240xf32, #tpu.memory_space<vmem_shared>> -> memref<2048xf32, #tpu.memory_space<vmem_shared>>
        tpu.enqueue_dma source(%arg16 : memref<2048xf32, #tpu.memory_space<vmem>>) target(%dma_start3A_320 : memref<2048xf32, #tpu.memory_space<vmem_shared>>) target_semaphore(%run_scoped3A : memref<!tpu.dma_semaphore, #tpu.memory_space<semaphore_mem>>)
        %dma_wait3A_321 = arith.constant 0 : i32
        %dma_wait3A_322 = tpu.memref_slice %arg18[%dma_wait3A_321] : memref<10240xf32, #tpu.memory_space<vmem_shared>> -> memref<2048xf32, #tpu.memory_space<vmem_shared>>
        %dma_wait3A_323 = arith.constant 0 : i32
        %dma_wait3A_324 = tpu.memref_slice %arg18[%dma_wait3A_323] : memref<10240xf32, #tpu.memory_space<vmem_shared>> -> memref<2048xf32, #tpu.memory_space<vmem_shared>>
        tpu.wait_dma2 semaphore(%run_scoped3A : memref<!tpu.dma_semaphore, #tpu.memory_space<semaphore_mem>>) src(%arg16 : memref<2048xf32, #tpu.memory_space<vmem>>) dst(%dma_wait3A_324 : memref<2048xf32, #tpu.memory_space<vmem_shared>>)
        tpu.yield
      }) : () -> ()
      "tpu.region"() ({
        %run_scoped3A = tpu.sem_alloc : memref<!tpu.dma_semaphore, #tpu.memory_space<semaphore_mem>>
        %dma_start3A_317 = arith.constant 2048 : i32
        %dma_start3A_318 = tpu.memref_slice %arg18[%dma_start3A_317] : memref<10240xf32, #tpu.memory_space<vmem_shared>> -> memref<2048xf32, #tpu.memory_space<vmem_shared>>
        %dma_start3A_319 = arith.constant 2048 : i32
        %dma_start3A_320 = tpu.memref_slice %arg18[%dma_start3A_319] : memref<10240xf32, #tpu.memory_space<vmem_shared>> -> memref<2048xf32, #tpu.memory_space<vmem_shared>>
        tpu.enqueue_dma source(%arg16 : memref<2048xf32, #tpu.memory_space<vmem>>) target(%dma_start3A_320 : memref<2048xf32, #tpu.memory_space<vmem_shared>>) target_semaphore(%run_scoped3A : memref<!tpu.dma_semaphore, #tpu.memory_space<semaphore_mem>>)
        %dma_wait3A_321 = arith.constant 2048 : i32
        %dma_wait3A_322 = tpu.memref_slice %arg18[%dma_wait3A_321] : memref<10240xf32, #tpu.memory_space<vmem_shared>> -> memref<2048xf32, #tpu.memory_space<vmem_shared>>
        %dma_wait3A_323 = arith.constant 2048 : i32
        %dma_wait3A_324 = tpu.memref_slice %arg18[%dma_wait3A_323] : memref<10240xf32, #tpu.memory_space<vmem_shared>> -> memref<2048xf32, #tpu.memory_space<vmem_shared>>
        tpu.wait_dma2 semaphore(%run_scoped3A : memref<!tpu.dma_semaphore, #tpu.memory_space<semaphore_mem>>) src(%arg16 : memref<2048xf32, #tpu.memory_space<vmem>>) dst(%dma_wait3A_324 : memref<2048xf32, #tpu.memory_space<vmem_shared>>)
        tpu.yield
      }) : () -> ()
      "tpu.region"() ({
        %run_scoped3A = tpu.sem_alloc : memref<!tpu.dma_semaphore, #tpu.memory_space<semaphore_mem>>
        %dma_start3A_317 = arith.constant 4096 : i32
        %dma_start3A_318 = tpu.memref_slice %arg18[%dma_start3A_317] : memref<10240xf32, #tpu.memory_space<vmem_shared>> -> memref<2048xf32, #tpu.memory_space<vmem_shared>>
        %dma_start3A_319 = arith.constant 4096 : i32
        %dma_start3A_320 = tpu.memref_slice %arg18[%dma_start3A_319] : memref<10240xf32, #tpu.memory_space<vmem_shared>> -> memref<2048xf32, #tpu.memory_space<vmem_shared>>
        tpu.enqueue_dma source(%arg16 : memref<2048xf32, #tpu.memory_space<vmem>>) target(%dma_start3A_320 : memref<2048xf32, #tpu.memory_space<vmem_shared>>) target_semaphore(%run_scoped3A : memref<!tpu.dma_semaphore, #tpu.memory_space<semaphore_mem>>)
        %dma_wait3A_321 = arith.constant 4096 : i32
        %dma_wait3A_322 = tpu.memref_slice %arg18[%dma_wait3A_321] : memref<10240xf32, #tpu.memory_space<vmem_shared>> -> memref<2048xf32, #tpu.memory_space<vmem_shared>>
        %dma_wait3A_323 = arith.constant 4096 : i32
        %dma_wait3A_324 = tpu.memref_slice %arg18[%dma_wait3A_323] : memref<10240xf32, #tpu.memory_space<vmem_shared>> -> memref<2048xf32, #tpu.memory_space<vmem_shared>>
        tpu.wait_dma2 semaphore(%run_scoped3A : memref<!tpu.dma_semaphore, #tpu.memory_space<semaphore_mem>>) src(%arg16 : memref<2048xf32, #tpu.memory_space<vmem>>) dst(%dma_wait3A_324 : memref<2048xf32, #tpu.memory_space<vmem_shared>>)
        tpu.yield
      }) : () -> ()
      "tpu.region"() ({
        %run_scoped3A = tpu.sem_alloc : memref<!tpu.dma_semaphore, #tpu.memory_space<semaphore_mem>>
        %dma_start3A_317 = arith.constant 6144 : i32
        %dma_start3A_318 = tpu.memref_slice %arg18[%dma_start3A_317] : memref<10240xf32, #tpu.memory_space<vmem_shared>> -> memref<2048xf32, #tpu.memory_space<vmem_shared>>
        %dma_start3A_319 = arith.constant 6144 : i32
        %dma_start3A_320 = tpu.memref_slice %arg18[%dma_start3A_319] : memref<10240xf32, #tpu.memory_space<vmem_shared>> -> memref<2048xf32, #tpu.memory_space<vmem_shared>>
        tpu.enqueue_dma source(%arg16 : memref<2048xf32, #tpu.memory_space<vmem>>) target(%dma_start3A_320 : memref<2048xf32, #tpu.memory_space<vmem_shared>>) target_semaphore(%run_scoped3A : memref<!tpu.dma_semaphore, #tpu.memory_space<semaphore_mem>>)
        %dma_wait3A_321 = arith.constant 6144 : i32
        %dma_wait3A_322 = tpu.memref_slice %arg18[%dma_wait3A_321] : memref<10240xf32, #tpu.memory_space<vmem_shared>> -> memref<2048xf32, #tpu.memory_space<vmem_shared>>
        %dma_wait3A_323 = arith.constant 6144 : i32
        %dma_wait3A_324 = tpu.memref_slice %arg18[%dma_wait3A_323] : memref<10240xf32, #tpu.memory_space<vmem_shared>> -> memref<2048xf32, #tpu.memory_space<vmem_shared>>
        tpu.wait_dma2 semaphore(%run_scoped3A : memref<!tpu.dma_semaphore, #tpu.memory_space<semaphore_mem>>) src(%arg16 : memref<2048xf32, #tpu.memory_space<vmem>>) dst(%dma_wait3A_324 : memref<2048xf32, #tpu.memory_space<vmem_shared>>)
        tpu.yield
      }) : () -> ()
      "tpu.region"() ({
        %run_scoped3A = tpu.sem_alloc : memref<!tpu.dma_semaphore, #tpu.memory_space<semaphore_mem>>
        %dma_start3A_317 = arith.constant 8192 : i32
        %dma_start3A_318 = tpu.memref_slice %arg18[%dma_start3A_317] : memref<10240xf32, #tpu.memory_space<vmem_shared>> -> memref<2048xf32, #tpu.memory_space<vmem_shared>>
        %dma_start3A_319 = arith.constant 8192 : i32
        %dma_start3A_320 = tpu.memref_slice %arg18[%dma_start3A_319] : memref<10240xf32, #tpu.memory_space<vmem_shared>> -> memref<2048xf32, #tpu.memory_space<vmem_shared>>
        tpu.enqueue_dma source(%arg16 : memref<2048xf32, #tpu.memory_space<vmem>>) target(%dma_start3A_320 : memref<2048xf32, #tpu.memory_space<vmem_shared>>) target_semaphore(%run_scoped3A : memref<!tpu.dma_semaphore, #tpu.memory_space<semaphore_mem>>)
        %dma_wait3A_321 = arith.constant 8192 : i32
        %dma_wait3A_322 = tpu.memref_slice %arg18[%dma_wait3A_321] : memref<10240xf32, #tpu.memory_space<vmem_shared>> -> memref<2048xf32, #tpu.memory_space<vmem_shared>>
        %dma_wait3A_323 = arith.constant 8192 : i32
        %dma_wait3A_324 = tpu.memref_slice %arg18[%dma_wait3A_323] : memref<10240xf32, #tpu.memory_space<vmem_shared>> -> memref<2048xf32, #tpu.memory_space<vmem_shared>>
        tpu.wait_dma2 semaphore(%run_scoped3A : memref<!tpu.dma_semaphore, #tpu.memory_space<semaphore_mem>>) src(%arg16 : memref<2048xf32, #tpu.memory_space<vmem>>) dst(%dma_wait3A_324 : memref<2048xf32, #tpu.memory_space<vmem_shared>>)
        tpu.yield
      }) : () -> ()
    } else {
    }
    %barrier3A = arith.constant 0 : index
    tpu.barrier barrier_id(%barrier3A)
    %mul3A_160 = arith.constant 10000 : i32
    %mul3A_161 = arith.muli %add3A, %mul3A_160 : i32
    %add3A_162 = arith.constant 0 : i32
    %add3A_163 = arith.addi %mul3A_161, %add3A_162 : i32
    %dma_start3A_164 = tpu.memref_slice %arg4[%add3A_163] : memref<640000xi32, #tpu.memory_space<hbm>> -> memref<80xi32, #tpu.memory_space<hbm>>
    %dma_start3A_165 = tpu.memref_slice %arg4[%add3A_163] : memref<640000xi32, #tpu.memory_space<hbm>> -> memref<80xi32, #tpu.memory_space<hbm>>
    tpu.enqueue_dma source(%dma_start3A_165 : memref<80xi32, #tpu.memory_space<hbm>>) target(%arg7 : memref<80xi32, #tpu.memory_space<vmem>>) target_semaphore(%arg19 : memref<!tpu.dma_semaphore, #tpu.memory_space<semaphore_mem>>)
    %add3A_166 = arith.constant 320000 : i32
    %add3A_167 = arith.addi %add3A_166, %add3A_163 : i32
    %dma_start3A_168 = tpu.memref_slice %arg4[%add3A_167] : memref<640000xi32, #tpu.memory_space<hbm>> -> memref<80xi32, #tpu.memory_space<hbm>>
    %dma_start3A_169 = tpu.memref_slice %arg4[%add3A_167] : memref<640000xi32, #tpu.memory_space<hbm>> -> memref<80xi32, #tpu.memory_space<hbm>>
    tpu.enqueue_dma source(%dma_start3A_169 : memref<80xi32, #tpu.memory_space<hbm>>) target(%arg9 : memref<80xi32, #tpu.memory_space<vmem>>) target_semaphore(%arg19 : memref<!tpu.dma_semaphore, #tpu.memory_space<semaphore_mem>>)
    %add3A_170 = arith.constant 80 : i32
    %add3A_171 = arith.addi %mul3A_161, %add3A_170 : i32
    %dma_start3A_172 = tpu.memref_slice %arg4[%add3A_171] : memref<640000xi32, #tpu.memory_space<hbm>> -> memref<80xi32, #tpu.memory_space<hbm>>
    %dma_start3A_173 = tpu.memref_slice %arg4[%add3A_171] : memref<640000xi32, #tpu.memory_space<hbm>> -> memref<80xi32, #tpu.memory_space<hbm>>
    tpu.enqueue_dma source(%dma_start3A_173 : memref<80xi32, #tpu.memory_space<hbm>>) target(%arg8 : memref<80xi32, #tpu.memory_space<vmem>>) target_semaphore(%arg20 : memref<!tpu.dma_semaphore, #tpu.memory_space<semaphore_mem>>)
    %add3A_174 = arith.constant 320000 : i32
    %add3A_175 = arith.addi %add3A_174, %add3A_171 : i32
    %dma_start3A_176 = tpu.memref_slice %arg4[%add3A_175] : memref<640000xi32, #tpu.memory_space<hbm>> -> memref<80xi32, #tpu.memory_space<hbm>>
    %dma_start3A_177 = tpu.memref_slice %arg4[%add3A_175] : memref<640000xi32, #tpu.memory_space<hbm>> -> memref<80xi32, #tpu.memory_space<hbm>>
    tpu.enqueue_dma source(%dma_start3A_177 : memref<80xi32, #tpu.memory_space<hbm>>) target(%arg10 : memref<80xi32, #tpu.memory_space<vmem>>) target_semaphore(%arg20 : memref<!tpu.dma_semaphore, #tpu.memory_space<semaphore_mem>>)
    %add3A_178 = arith.constant 0 : i32
    %add3A_179 = arith.addi %mul3A_161, %add3A_178 : i32
    %dma_wait3A_180 = tpu.memref_slice %arg4[%add3A_179] : memref<640000xi32, #tpu.memory_space<hbm>> -> memref<80xi32, #tpu.memory_space<hbm>>
    %dma_wait3A_181 = tpu.memref_slice %arg4[%add3A_179] : memref<640000xi32, #tpu.memory_space<hbm>> -> memref<80xi32, #tpu.memory_space<hbm>>
    tpu.wait_dma2 semaphore(%arg19 : memref<!tpu.dma_semaphore, #tpu.memory_space<semaphore_mem>>) src(%dma_wait3A_181 : memref<80xi32, #tpu.memory_space<hbm>>) dst(%arg7 : memref<80xi32, #tpu.memory_space<vmem>>)
    %add3A_182 = arith.constant 320000 : i32
    %add3A_183 = arith.addi %add3A_182, %add3A_179 : i32
    %dma_wait3A_184 = tpu.memref_slice %arg4[%add3A_183] : memref<640000xi32, #tpu.memory_space<hbm>> -> memref<80xi32, #tpu.memory_space<hbm>>
    %dma_wait3A_185 = tpu.memref_slice %arg4[%add3A_183] : memref<640000xi32, #tpu.memory_space<hbm>> -> memref<80xi32, #tpu.memory_space<hbm>>
    tpu.wait_dma2 semaphore(%arg19 : memref<!tpu.dma_semaphore, #tpu.memory_space<semaphore_mem>>) src(%dma_wait3A_185 : memref<80xi32, #tpu.memory_space<hbm>>) dst(%arg9 : memref<80xi32, #tpu.memory_space<vmem>>)
    %dma_start3A_186 = arith.constant 0 : i32
    %dma_start3A_187 = arith.constant 0 : i32
    %dma_start3A_188 = tpu.memref_slice %arg2[%dma_start3A_186, %dma_start3A_187] : memref<10000x128xf32, #tpu.memory_space<hbm>> -> memref<10000x128xf32, #tpu.memory_space<hbm>>
    tpu.enqueue_indirect_dma source(%dma_start3A_188 : memref<10000x128xf32, #tpu.memory_space<hbm>>) target(%arg11 : memref<80x128xf32, #tpu.memory_space<vmem>>) offsets(%arg7 : memref<80xi32, #tpu.memory_space<vmem>>) semaphore(%arg21 : memref<!tpu.dma_semaphore, #tpu.memory_space<semaphore_mem>>)
    %add3A_189 = arith.constant 0 : i32
    %add3A_190 = arith.addi %mul3A_161, %add3A_189 : i32
    %dma_start3A_191 = arith.constant 0 : i32
    %dma_start3A_192 = tpu.memref_slice %arg3[%add3A_190, %dma_start3A_191] : memref<320000x128xf32, #tpu.memory_space<hbm>> -> memref<80x128xf32, #tpu.memory_space<hbm>>
    %dma_start3A_193 = arith.constant 0 : i32
    %dma_start3A_194 = tpu.memref_slice %arg3[%add3A_190, %dma_start3A_193] : memref<320000x128xf32, #tpu.memory_space<hbm>> -> memref<80x128xf32, #tpu.memory_space<hbm>>
    tpu.enqueue_dma source(%dma_start3A_194 : memref<80x128xf32, #tpu.memory_space<hbm>>) target(%arg13 : memref<80x128xf32, #tpu.memory_space<vmem>>) target_semaphore(%arg21 : memref<!tpu.dma_semaphore, #tpu.memory_space<semaphore_mem>>)
    %scan3A_195 = arith.constant 0 : i32
    %scan3A_196 = arith.constant 62 : i32
    %scan3A_197 = arith.addi %scan3A_195, %scan3A_196 : i32
    %scan3A_198 = arith.constant 1 : i32
    scf.for %scan3A_317 = %scan3A_195 to %scan3A_197 step %scan3A_198  : i32 {
      %mul3A_318 = arith.constant 2 : i32
      %mul3A_319 = arith.muli %scan3A_317, %mul3A_318 : i32
      %add3A_320 = arith.constant 0 : i32
      %add3A_321 = arith.addi %add3A_320, %mul3A_319 : i32
      %add3A_322 = arith.constant 1 : i32
      %add3A_323 = arith.addi %add3A_321, %add3A_322 : i32
      %lt3A = arith.constant 125 : i32
      %lt3A_324 = arith.cmpi slt, %add3A_323, %lt3A : i32
      %convert_element_type3A_325 = arith.extui %lt3A_324 : i1 to i32
      %cond3A_326 = arith.constant 0 : i32
      %cond3A_327 = arith.cmpi ne, %convert_element_type3A_325, %cond3A_326 : i32
      scf.if %cond3A_327 {
        %add3A_397 = arith.constant 1 : i32
        %add3A_398 = arith.addi %add3A_321, %add3A_397 : i32
        %mul3A_399 = arith.constant 80 : i32
        %mul3A_400 = arith.muli %add3A_398, %mul3A_399 : i32
        %add3A_401 = arith.addi %mul3A_161, %mul3A_400 : i32
        %dma_wait3A_402 = tpu.memref_slice %arg4[%add3A_401] : memref<640000xi32, #tpu.memory_space<hbm>> -> memref<80xi32, #tpu.memory_space<hbm>>
        %dma_wait3A_403 = tpu.memref_slice %arg4[%add3A_401] : memref<640000xi32, #tpu.memory_space<hbm>> -> memref<80xi32, #tpu.memory_space<hbm>>
        tpu.wait_dma2 semaphore(%arg20 : memref<!tpu.dma_semaphore, #tpu.memory_space<semaphore_mem>>) src(%dma_wait3A_403 : memref<80xi32, #tpu.memory_space<hbm>>) dst(%arg8 : memref<80xi32, #tpu.memory_space<vmem>>)
        %add3A_404 = arith.constant 320000 : i32
        %add3A_405 = arith.addi %add3A_404, %add3A_401 : i32
        %dma_wait3A_406 = tpu.memref_slice %arg4[%add3A_405] : memref<640000xi32, #tpu.memory_space<hbm>> -> memref<80xi32, #tpu.memory_space<hbm>>
        %dma_wait3A_407 = tpu.memref_slice %arg4[%add3A_405] : memref<640000xi32, #tpu.memory_space<hbm>> -> memref<80xi32, #tpu.memory_space<hbm>>
        tpu.wait_dma2 semaphore(%arg20 : memref<!tpu.dma_semaphore, #tpu.memory_space<semaphore_mem>>) src(%dma_wait3A_407 : memref<80xi32, #tpu.memory_space<hbm>>) dst(%arg10 : memref<80xi32, #tpu.memory_space<vmem>>)
        %add3A_408 = arith.constant 1 : i32
        %add3A_409 = arith.addi %add3A_321, %add3A_408 : i32
        %dma_start3A_410 = arith.constant 0 : i32
        %dma_start3A_411 = arith.constant 0 : i32
        %dma_start3A_412 = tpu.memref_slice %arg2[%dma_start3A_410, %dma_start3A_411] : memref<10000x128xf32, #tpu.memory_space<hbm>> -> memref<10000x128xf32, #tpu.memory_space<hbm>>
        tpu.enqueue_indirect_dma source(%dma_start3A_412 : memref<10000x128xf32, #tpu.memory_space<hbm>>) target(%arg12 : memref<80x128xf32, #tpu.memory_space<vmem>>) offsets(%arg8 : memref<80xi32, #tpu.memory_space<vmem>>) semaphore(%arg22 : memref<!tpu.dma_semaphore, #tpu.memory_space<semaphore_mem>>)
        %mul3A_413 = arith.constant 80 : i32
        %mul3A_414 = arith.muli %add3A_409, %mul3A_413 : i32
        %add3A_415 = arith.addi %mul3A_161, %mul3A_414 : i32
        %dma_start3A_416 = arith.constant 0 : i32
        %dma_start3A_417 = tpu.memref_slice %arg3[%add3A_415, %dma_start3A_416] : memref<320000x128xf32, #tpu.memory_space<hbm>> -> memref<80x128xf32, #tpu.memory_space<hbm>>
        %dma_start3A_418 = arith.constant 0 : i32
        %dma_start3A_419 = tpu.memref_slice %arg3[%add3A_415, %dma_start3A_418] : memref<320000x128xf32, #tpu.memory_space<hbm>> -> memref<80x128xf32, #tpu.memory_space<hbm>>
        tpu.enqueue_dma source(%dma_start3A_419 : memref<80x128xf32, #tpu.memory_space<hbm>>) target(%arg14 : memref<80x128xf32, #tpu.memory_space<vmem>>) target_semaphore(%arg22 : memref<!tpu.dma_semaphore, #tpu.memory_space<semaphore_mem>>)
      } else {
      }
      %dma_wait3A_328 = arith.constant 0 : i32
      %dma_wait3A_329 = arith.constant 0 : i32
      %dma_wait3A_330 = tpu.memref_slice %arg2[%dma_wait3A_328, %dma_wait3A_329] : memref<10000x128xf32, #tpu.memory_space<hbm>> -> memref<10000x128xf32, #tpu.memory_space<hbm>>
      tpu.wait_indirect_dma semaphore(%arg21 : memref<!tpu.dma_semaphore, #tpu.memory_space<semaphore_mem>>) src(%dma_wait3A_330 : memref<10000x128xf32, #tpu.memory_space<hbm>>) dst(%arg11 : memref<80x128xf32, #tpu.memory_space<vmem>>)
      %mul3A_331 = arith.constant 80 : i32
      %mul3A_332 = arith.muli %add3A_321, %mul3A_331 : i32
      %add3A_333 = arith.addi %mul3A_161, %mul3A_332 : i32
      %dma_wait3A_334 = arith.constant 0 : i32
      %dma_wait3A_335 = tpu.memref_slice %arg3[%add3A_333, %dma_wait3A_334] : memref<320000x128xf32, #tpu.memory_space<hbm>> -> memref<80x128xf32, #tpu.memory_space<hbm>>
      %dma_wait3A_336 = arith.constant 0 : i32
      %dma_wait3A_337 = tpu.memref_slice %arg3[%add3A_333, %dma_wait3A_336] : memref<320000x128xf32, #tpu.memory_space<hbm>> -> memref<80x128xf32, #tpu.memory_space<hbm>>
      tpu.wait_dma2 semaphore(%arg21 : memref<!tpu.dma_semaphore, #tpu.memory_space<semaphore_mem>>) src(%dma_wait3A_337 : memref<80x128xf32, #tpu.memory_space<hbm>>) dst(%arg13 : memref<80x128xf32, #tpu.memory_space<vmem>>)
      %parallel_loop3A_338 = arith.constant 0 : i32
      %parallel_loop3A_339 = arith.constant 80 : i32
      %parallel_loop3A_340 = arith.constant 1 : i32
      scf.for %parallel_loop3A_397 = %parallel_loop3A_338 to %parallel_loop3A_339 step %parallel_loop3A_340  : i32 {
        %parallel_loop3A_398 = arith.index_cast %parallel_loop3A_397 : i32 to index
        %parallel_loop3A_399 = arith.constant 0 : index
        %parallel_loop3A_400 = tpu.vector_load %arg11[%parallel_loop3A_398, %parallel_loop3A_399] {strides = array<i32>} : memref<80x128xf32, #tpu.memory_space<vmem>>, vector<1x16xf32>,
        %parallel_loop3A_401 = vector.shape_cast %parallel_loop3A_400 : vector<1x16xf32> to vector<16xf32>
        %parallel_loop3A_402 = arith.index_cast %parallel_loop3A_397 : i32 to index
        %parallel_loop3A_403 = arith.constant 0 : index
        %parallel_loop3A_404 = tpu.vector_load %arg13[%parallel_loop3A_402, %parallel_loop3A_403] {strides = array<i32>} : memref<80x128xf32, #tpu.memory_space<vmem>>, vector<1x16xf32>,
        %parallel_loop3A_405 = vector.shape_cast %parallel_loop3A_404 : vector<1x16xf32> to vector<16xf32>
        %parallel_loop3A_406 = arith.addf %parallel_loop3A_401, %parallel_loop3A_405 : vector<16xf32>
        %parallel_loop3A_407 = arith.constant 0.000000e+00 : f32
        %parallel_loop3A_408 = vector.broadcast %parallel_loop3A_407 : f32 to vector<16xf32>
        %parallel_loop3A_409 = arith.maximumf %parallel_loop3A_406, %parallel_loop3A_408 : vector<16xf32>
        %parallel_loop3A_410 = arith.index_cast %parallel_loop3A_397 : i32 to index
        %parallel_loop3A_411 = arith.constant 0 : index
        %parallel_loop3A_412 = tpu.vector_load %arg11[%parallel_loop3A_410, %parallel_loop3A_411] {strides = array<i32>} : memref<80x128xf32, #tpu.memory_space<vmem>>, vector<1x16xf32>,
        %parallel_loop3A_413 = vector.shape_cast %parallel_loop3A_412 : vector<1x16xf32> to vector<16xf32>
        %parallel_loop3A_414 = vector.shape_cast %parallel_loop3A_409 : vector<16xf32> to vector<1x16xf32>
        tpu.vector_store %arg11[%parallel_loop3A_410, %parallel_loop3A_411], %parallel_loop3A_414 {strides = array<i32>} : memref<80x128xf32, #tpu.memory_space<vmem>>, vector<1x16xf32>,
        %parallel_loop3A_415 = arith.index_cast %parallel_loop3A_397 : i32 to index
        %parallel_loop3A_416 = arith.constant 16 : index
        %parallel_loop3A_417 = tpu.vector_load %arg11[%parallel_loop3A_415, %parallel_loop3A_416] {strides = array<i32>} : memref<80x128xf32, #tpu.memory_space<vmem>>, vector<1x16xf32>,
        %parallel_loop3A_418 = vector.shape_cast %parallel_loop3A_417 : vector<1x16xf32> to vector<16xf32>
        %parallel_loop3A_419 = arith.index_cast %parallel_loop3A_397 : i32 to index
        %parallel_loop3A_420 = arith.constant 16 : index
        %parallel_loop3A_421 = tpu.vector_load %arg13[%parallel_loop3A_419, %parallel_loop3A_420] {strides = array<i32>} : memref<80x128xf32, #tpu.memory_space<vmem>>, vector<1x16xf32>,
        %parallel_loop3A_422 = vector.shape_cast %parallel_loop3A_421 : vector<1x16xf32> to vector<16xf32>
        %parallel_loop3A_423 = arith.addf %parallel_loop3A_418, %parallel_loop3A_422 : vector<16xf32>
        %parallel_loop3A_424 = arith.constant 0.000000e+00 : f32
        %parallel_loop3A_425 = vector.broadcast %parallel_loop3A_424 : f32 to vector<16xf32>
        %parallel_loop3A_426 = arith.maximumf %parallel_loop3A_423, %parallel_loop3A_425 : vector<16xf32>
        %parallel_loop3A_427 = arith.index_cast %parallel_loop3A_397 : i32 to index
        %parallel_loop3A_428 = arith.constant 16 : index
        %parallel_loop3A_429 = tpu.vector_load %arg11[%parallel_loop3A_427, %parallel_loop3A_428] {strides = array<i32>} : memref<80x128xf32, #tpu.memory_space<vmem>>, vector<1x16xf32>,
        %parallel_loop3A_430 = vector.shape_cast %parallel_loop3A_429 : vector<1x16xf32> to vector<16xf32>
        %parallel_loop3A_431 = vector.shape_cast %parallel_loop3A_426 : vector<16xf32> to vector<1x16xf32>
        tpu.vector_store %arg11[%parallel_loop3A_427, %parallel_loop3A_428], %parallel_loop3A_431 {strides = array<i32>} : memref<80x128xf32, #tpu.memory_space<vmem>>, vector<1x16xf32>,
        %parallel_loop3A_432 = arith.index_cast %parallel_loop3A_397 : i32 to index
        %parallel_loop3A_433 = arith.constant 32 : index
        %parallel_loop3A_434 = tpu.vector_load %arg11[%parallel_loop3A_432, %parallel_loop3A_433] {strides = array<i32>} : memref<80x128xf32, #tpu.memory_space<vmem>>, vector<1x16xf32>,
        %parallel_loop3A_435 = vector.shape_cast %parallel_loop3A_434 : vector<1x16xf32> to vector<16xf32>
        %parallel_loop3A_436 = arith.index_cast %parallel_loop3A_397 : i32 to index
        %parallel_loop3A_437 = arith.constant 32 : index
        %parallel_loop3A_438 = tpu.vector_load %arg13[%parallel_loop3A_436, %parallel_loop3A_437] {strides = array<i32>} : memref<80x128xf32, #tpu.memory_space<vmem>>, vector<1x16xf32>,
        %parallel_loop3A_439 = vector.shape_cast %parallel_loop3A_438 : vector<1x16xf32> to vector<16xf32>
        %parallel_loop3A_440 = arith.addf %parallel_loop3A_435, %parallel_loop3A_439 : vector<16xf32>
        %parallel_loop3A_441 = arith.constant 0.000000e+00 : f32
        %parallel_loop3A_442 = vector.broadcast %parallel_loop3A_441 : f32 to vector<16xf32>
        %parallel_loop3A_443 = arith.maximumf %parallel_loop3A_440, %parallel_loop3A_442 : vector<16xf32>
        %parallel_loop3A_444 = arith.index_cast %parallel_loop3A_397 : i32 to index
        %parallel_loop3A_445 = arith.constant 32 : index
        %parallel_loop3A_446 = tpu.vector_load %arg11[%parallel_loop3A_444, %parallel_loop3A_445] {strides = array<i32>} : memref<80x128xf32, #tpu.memory_space<vmem>>, vector<1x16xf32>,
        %parallel_loop3A_447 = vector.shape_cast %parallel_loop3A_446 : vector<1x16xf32> to vector<16xf32>
        %parallel_loop3A_448 = vector.shape_cast %parallel_loop3A_443 : vector<16xf32> to vector<1x16xf32>
        tpu.vector_store %arg11[%parallel_loop3A_444, %parallel_loop3A_445], %parallel_loop3A_448 {strides = array<i32>} : memref<80x128xf32, #tpu.memory_space<vmem>>, vector<1x16xf32>,
        %parallel_loop3A_449 = arith.index_cast %parallel_loop3A_397 : i32 to index
        %parallel_loop3A_450 = arith.constant 48 : index
        %parallel_loop3A_451 = tpu.vector_load %arg11[%parallel_loop3A_449, %parallel_loop3A_450] {strides = array<i32>} : memref<80x128xf32, #tpu.memory_space<vmem>>, vector<1x16xf32>,
        %parallel_loop3A_452 = vector.shape_cast %parallel_loop3A_451 : vector<1x16xf32> to vector<16xf32>
        %parallel_loop3A_453 = arith.index_cast %parallel_loop3A_397 : i32 to index
        %parallel_loop3A_454 = arith.constant 48 : index
        %parallel_loop3A_455 = tpu.vector_load %arg13[%parallel_loop3A_453, %parallel_loop3A_454] {strides = array<i32>} : memref<80x128xf32, #tpu.memory_space<vmem>>, vector<1x16xf32>,
        %parallel_loop3A_456 = vector.shape_cast %parallel_loop3A_455 : vector<1x16xf32> to vector<16xf32>
        %parallel_loop3A_457 = arith.addf %parallel_loop3A_452, %parallel_loop3A_456 : vector<16xf32>
        %parallel_loop3A_458 = arith.constant 0.000000e+00 : f32
        %parallel_loop3A_459 = vector.broadcast %parallel_loop3A_458 : f32 to vector<16xf32>
        %parallel_loop3A_460 = arith.maximumf %parallel_loop3A_457, %parallel_loop3A_459 : vector<16xf32>
        %parallel_loop3A_461 = arith.index_cast %parallel_loop3A_397 : i32 to index
        %parallel_loop3A_462 = arith.constant 48 : index
        %parallel_loop3A_463 = tpu.vector_load %arg11[%parallel_loop3A_461, %parallel_loop3A_462] {strides = array<i32>} : memref<80x128xf32, #tpu.memory_space<vmem>>, vector<1x16xf32>,
        %parallel_loop3A_464 = vector.shape_cast %parallel_loop3A_463 : vector<1x16xf32> to vector<16xf32>
        %parallel_loop3A_465 = vector.shape_cast %parallel_loop3A_460 : vector<16xf32> to vector<1x16xf32>
        tpu.vector_store %arg11[%parallel_loop3A_461, %parallel_loop3A_462], %parallel_loop3A_465 {strides = array<i32>} : memref<80x128xf32, #tpu.memory_space<vmem>>, vector<1x16xf32>,
        %parallel_loop3A_466 = arith.index_cast %parallel_loop3A_397 : i32 to index
        %parallel_loop3A_467 = arith.constant 64 : index
        %parallel_loop3A_468 = tpu.vector_load %arg11[%parallel_loop3A_466, %parallel_loop3A_467] {strides = array<i32>} : memref<80x128xf32, #tpu.memory_space<vmem>>, vector<1x16xf32>,
        %parallel_loop3A_469 = vector.shape_cast %parallel_loop3A_468 : vector<1x16xf32> to vector<16xf32>
        %parallel_loop3A_470 = arith.index_cast %parallel_loop3A_397 : i32 to index
        %parallel_loop3A_471 = arith.constant 64 : index
        %parallel_loop3A_472 = tpu.vector_load %arg13[%parallel_loop3A_470, %parallel_loop3A_471] {strides = array<i32>} : memref<80x128xf32, #tpu.memory_space<vmem>>, vector<1x16xf32>,
        %parallel_loop3A_473 = vector.shape_cast %parallel_loop3A_472 : vector<1x16xf32> to vector<16xf32>
        %parallel_loop3A_474 = arith.addf %parallel_loop3A_469, %parallel_loop3A_473 : vector<16xf32>
        %parallel_loop3A_475 = arith.constant 0.000000e+00 : f32
        %parallel_loop3A_476 = vector.broadcast %parallel_loop3A_475 : f32 to vector<16xf32>
        %parallel_loop3A_477 = arith.maximumf %parallel_loop3A_474, %parallel_loop3A_476 : vector<16xf32>
        %parallel_loop3A_478 = arith.index_cast %parallel_loop3A_397 : i32 to index
        %parallel_loop3A_479 = arith.constant 64 : index
        %parallel_loop3A_480 = tpu.vector_load %arg11[%parallel_loop3A_478, %parallel_loop3A_479] {strides = array<i32>} : memref<80x128xf32, #tpu.memory_space<vmem>>, vector<1x16xf32>,
        %parallel_loop3A_481 = vector.shape_cast %parallel_loop3A_480 : vector<1x16xf32> to vector<16xf32>
        %parallel_loop3A_482 = vector.shape_cast %parallel_loop3A_477 : vector<16xf32> to vector<1x16xf32>
        tpu.vector_store %arg11[%parallel_loop3A_478, %parallel_loop3A_479], %parallel_loop3A_482 {strides = array<i32>} : memref<80x128xf32, #tpu.memory_space<vmem>>, vector<1x16xf32>,
        %parallel_loop3A_483 = arith.index_cast %parallel_loop3A_397 : i32 to index
        %parallel_loop3A_484 = arith.constant 80 : index
        %parallel_loop3A_485 = tpu.vector_load %arg11[%parallel_loop3A_483, %parallel_loop3A_484] {strides = array<i32>} : memref<80x128xf32, #tpu.memory_space<vmem>>, vector<1x16xf32>,
        %parallel_loop3A_486 = vector.shape_cast %parallel_loop3A_485 : vector<1x16xf32> to vector<16xf32>
        %parallel_loop3A_487 = arith.index_cast %parallel_loop3A_397 : i32 to index
        %parallel_loop3A_488 = arith.constant 80 : index
        %parallel_loop3A_489 = tpu.vector_load %arg13[%parallel_loop3A_487, %parallel_loop3A_488] {strides = array<i32>} : memref<80x128xf32, #tpu.memory_space<vmem>>, vector<1x16xf32>,
        %parallel_loop3A_490 = vector.shape_cast %parallel_loop3A_489 : vector<1x16xf32> to vector<16xf32>
        %parallel_loop3A_491 = arith.addf %parallel_loop3A_486, %parallel_loop3A_490 : vector<16xf32>
        %parallel_loop3A_492 = arith.constant 0.000000e+00 : f32
        %parallel_loop3A_493 = vector.broadcast %parallel_loop3A_492 : f32 to vector<16xf32>
        %parallel_loop3A_494 = arith.maximumf %parallel_loop3A_491, %parallel_loop3A_493 : vector<16xf32>
        %parallel_loop3A_495 = arith.index_cast %parallel_loop3A_397 : i32 to index
        %parallel_loop3A_496 = arith.constant 80 : index
        %parallel_loop3A_497 = tpu.vector_load %arg11[%parallel_loop3A_495, %parallel_loop3A_496] {strides = array<i32>} : memref<80x128xf32, #tpu.memory_space<vmem>>, vector<1x16xf32>,
        %parallel_loop3A_498 = vector.shape_cast %parallel_loop3A_497 : vector<1x16xf32> to vector<16xf32>
        %parallel_loop3A_499 = vector.shape_cast %parallel_loop3A_494 : vector<16xf32> to vector<1x16xf32>
        tpu.vector_store %arg11[%parallel_loop3A_495, %parallel_loop3A_496], %parallel_loop3A_499 {strides = array<i32>} : memref<80x128xf32, #tpu.memory_space<vmem>>, vector<1x16xf32>,
        %parallel_loop3A_500 = arith.index_cast %parallel_loop3A_397 : i32 to index
        %parallel_loop3A_501 = arith.constant 96 : index
        %parallel_loop3A_502 = tpu.vector_load %arg11[%parallel_loop3A_500, %parallel_loop3A_501] {strides = array<i32>} : memref<80x128xf32, #tpu.memory_space<vmem>>, vector<1x16xf32>,
        %parallel_loop3A_503 = vector.shape_cast %parallel_loop3A_502 : vector<1x16xf32> to vector<16xf32>
        %parallel_loop3A_504 = arith.index_cast %parallel_loop3A_397 : i32 to index
        %parallel_loop3A_505 = arith.constant 96 : index
        %parallel_loop3A_506 = tpu.vector_load %arg13[%parallel_loop3A_504, %parallel_loop3A_505] {strides = array<i32>} : memref<80x128xf32, #tpu.memory_space<vmem>>, vector<1x16xf32>,
        %parallel_loop3A_507 = vector.shape_cast %parallel_loop3A_506 : vector<1x16xf32> to vector<16xf32>
        %parallel_loop3A_508 = arith.addf %parallel_loop3A_503, %parallel_loop3A_507 : vector<16xf32>
        %parallel_loop3A_509 = arith.constant 0.000000e+00 : f32
        %parallel_loop3A_510 = vector.broadcast %parallel_loop3A_509 : f32 to vector<16xf32>
        %parallel_loop3A_511 = arith.maximumf %parallel_loop3A_508, %parallel_loop3A_510 : vector<16xf32>
        %parallel_loop3A_512 = arith.index_cast %parallel_loop3A_397 : i32 to index
        %parallel_loop3A_513 = arith.constant 96 : index
        %parallel_loop3A_514 = tpu.vector_load %arg11[%parallel_loop3A_512, %parallel_loop3A_513] {strides = array<i32>} : memref<80x128xf32, #tpu.memory_space<vmem>>, vector<1x16xf32>,
        %parallel_loop3A_515 = vector.shape_cast %parallel_loop3A_514 : vector<1x16xf32> to vector<16xf32>
        %parallel_loop3A_516 = vector.shape_cast %parallel_loop3A_511 : vector<16xf32> to vector<1x16xf32>
        tpu.vector_store %arg11[%parallel_loop3A_512, %parallel_loop3A_513], %parallel_loop3A_516 {strides = array<i32>} : memref<80x128xf32, #tpu.memory_space<vmem>>, vector<1x16xf32>,
        %parallel_loop3A_517 = arith.index_cast %parallel_loop3A_397 : i32 to index
        %parallel_loop3A_518 = arith.constant 112 : index
        %parallel_loop3A_519 = tpu.vector_load %arg11[%parallel_loop3A_517, %parallel_loop3A_518] {strides = array<i32>} : memref<80x128xf32, #tpu.memory_space<vmem>>, vector<1x16xf32>,
        %parallel_loop3A_520 = vector.shape_cast %parallel_loop3A_519 : vector<1x16xf32> to vector<16xf32>
        %parallel_loop3A_521 = arith.index_cast %parallel_loop3A_397 : i32 to index
        %parallel_loop3A_522 = arith.constant 112 : index
        %parallel_loop3A_523 = tpu.vector_load %arg13[%parallel_loop3A_521, %parallel_loop3A_522] {strides = array<i32>} : memref<80x128xf32, #tpu.memory_space<vmem>>, vector<1x16xf32>,
        %parallel_loop3A_524 = vector.shape_cast %parallel_loop3A_523 : vector<1x16xf32> to vector<16xf32>
        %parallel_loop3A_525 = arith.addf %parallel_loop3A_520, %parallel_loop3A_524 : vector<16xf32>
        %parallel_loop3A_526 = arith.constant 0.000000e+00 : f32
        %parallel_loop3A_527 = vector.broadcast %parallel_loop3A_526 : f32 to vector<16xf32>
        %parallel_loop3A_528 = arith.maximumf %parallel_loop3A_525, %parallel_loop3A_527 : vector<16xf32>
        %parallel_loop3A_529 = arith.index_cast %parallel_loop3A_397 : i32 to index
        %parallel_loop3A_530 = arith.constant 112 : index
        %parallel_loop3A_531 = tpu.vector_load %arg11[%parallel_loop3A_529, %parallel_loop3A_530] {strides = array<i32>} : memref<80x128xf32, #tpu.memory_space<vmem>>, vector<1x16xf32>,
        %parallel_loop3A_532 = vector.shape_cast %parallel_loop3A_531 : vector<1x16xf32> to vector<16xf32>
        %parallel_loop3A_533 = vector.shape_cast %parallel_loop3A_528 : vector<16xf32> to vector<1x16xf32>
        tpu.vector_store %arg11[%parallel_loop3A_529, %parallel_loop3A_530], %parallel_loop3A_533 {strides = array<i32>} : memref<80x128xf32, #tpu.memory_space<vmem>>, vector<1x16xf32>,
      } {sc.loop_unroll_factor = 1 : i64, sc.parallel_access}
      %dma_start3A_341 = arith.constant 0 : i32
      %dma_start3A_342 = arith.constant 0 : i32
      %dma_start3A_343 = tpu.memref_slice %arg17[%dma_start3A_341, %dma_start3A_342] : memref<10240x128xf32, #tpu.memory_space<vmem_shared>> -> memref<10240x128xf32, #tpu.memory_space<vmem_shared>>
      tpu.enqueue_indirect_dma source(%arg11 : memref<80x128xf32, #tpu.memory_space<vmem>>) target(%dma_start3A_343 : memref<10240x128xf32, #tpu.memory_space<vmem_shared>>) offsets(%arg9 : memref<80xi32, #tpu.memory_space<vmem>>) semaphore(%arg23 : memref<!tpu.dma_semaphore, #tpu.memory_space<semaphore_mem>>) {add = true}
      %dma_start3A_344 = arith.constant 0 : i32
      %dma_start3A_345 = tpu.memref_slice %arg18[%dma_start3A_344] : memref<10240xf32, #tpu.memory_space<vmem_shared>> -> memref<10240xf32, #tpu.memory_space<vmem_shared>>
      tpu.enqueue_indirect_dma source(%arg15 : memref<80xf32, #tpu.memory_space<vmem>>) target(%dma_start3A_345 : memref<10240xf32, #tpu.memory_space<vmem_shared>>) offsets(%arg9 : memref<80xi32, #tpu.memory_space<vmem>>) semaphore(%arg23 : memref<!tpu.dma_semaphore, #tpu.memory_space<semaphore_mem>>) {add = true}
      %dma_wait3A_346 = arith.constant 0 : i32
      %dma_wait3A_347 = arith.constant 0 : i32
      %dma_wait3A_348 = tpu.memref_slice %arg17[%dma_wait3A_346, %dma_wait3A_347] : memref<10240x128xf32, #tpu.memory_space<vmem_shared>> -> memref<10240x128xf32, #tpu.memory_space<vmem_shared>>
      tpu.wait_indirect_dma semaphore(%arg23 : memref<!tpu.dma_semaphore, #tpu.memory_space<semaphore_mem>>) src(%arg11 : memref<80x128xf32, #tpu.memory_space<vmem>>) dst(%dma_wait3A_348 : memref<10240x128xf32, #tpu.memory_space<vmem_shared>>)
      %dma_wait3A_349 = arith.constant 0 : i32
      %dma_wait3A_350 = tpu.memref_slice %arg18[%dma_wait3A_349] : memref<10240xf32, #tpu.memory_space<vmem_shared>> -> memref<10240xf32, #tpu.memory_space<vmem_shared>>
      tpu.wait_indirect_dma semaphore(%arg23 : memref<!tpu.dma_semaphore, #tpu.memory_space<semaphore_mem>>) src(%arg15 : memref<80xf32, #tpu.memory_space<vmem>>) dst(%dma_wait3A_350 : memref<10240xf32, #tpu.memory_space<vmem_shared>>)
      %add3A_351 = arith.constant 2 : i32
      %add3A_352 = arith.addi %add3A_321, %add3A_351 : i32
      %lt3A_353 = arith.constant 125 : i32
      %lt3A_354 = arith.cmpi slt, %add3A_352, %lt3A_353 : i32
      %convert_element_type3A_355 = arith.extui %lt3A_354 : i1 to i32
      %cond3A_356 = arith.constant 0 : i32
      %cond3A_357 = arith.cmpi ne, %convert_element_type3A_355, %cond3A_356 : i32
      scf.if %cond3A_357 {
        %add3A_397 = arith.constant 2 : i32
        %add3A_398 = arith.addi %add3A_321, %add3A_397 : i32
        %mul3A_399 = arith.constant 80 : i32
        %mul3A_400 = arith.muli %add3A_398, %mul3A_399 : i32
        %add3A_401 = arith.addi %mul3A_161, %mul3A_400 : i32
        %dma_start3A_402 = tpu.memref_slice %arg4[%add3A_401] : memref<640000xi32, #tpu.memory_space<hbm>> -> memref<80xi32, #tpu.memory_space<hbm>>
        %dma_start3A_403 = tpu.memref_slice %arg4[%add3A_401] : memref<640000xi32, #tpu.memory_space<hbm>> -> memref<80xi32, #tpu.memory_space<hbm>>
        tpu.enqueue_dma source(%dma_start3A_403 : memref<80xi32, #tpu.memory_space<hbm>>) target(%arg7 : memref<80xi32, #tpu.memory_space<vmem>>) target_semaphore(%arg19 : memref<!tpu.dma_semaphore, #tpu.memory_space<semaphore_mem>>)
        %add3A_404 = arith.constant 320000 : i32
        %add3A_405 = arith.addi %add3A_404, %add3A_401 : i32
        %dma_start3A_406 = tpu.memref_slice %arg4[%add3A_405] : memref<640000xi32, #tpu.memory_space<hbm>> -> memref<80xi32, #tpu.memory_space<hbm>>
        %dma_start3A_407 = tpu.memref_slice %arg4[%add3A_405] : memref<640000xi32, #tpu.memory_space<hbm>> -> memref<80xi32, #tpu.memory_space<hbm>>
        tpu.enqueue_dma source(%dma_start3A_407 : memref<80xi32, #tpu.memory_space<hbm>>) target(%arg9 : memref<80xi32, #tpu.memory_space<vmem>>) target_semaphore(%arg19 : memref<!tpu.dma_semaphore, #tpu.memory_space<semaphore_mem>>)
      } else {
      }
      %add3A_358 = arith.constant 1 : i32
      %add3A_359 = arith.addi %add3A_321, %add3A_358 : i32
      %add3A_360 = arith.constant 1 : i32
      %add3A_361 = arith.addi %add3A_359, %add3A_360 : i32
      %lt3A_362 = arith.constant 125 : i32
      %lt3A_363 = arith.cmpi slt, %add3A_361, %lt3A_362 : i32
      %convert_element_type3A_364 = arith.extui %lt3A_363 : i1 to i32
      %cond3A_365 = arith.constant 0 : i32
      %cond3A_366 = arith.cmpi ne, %convert_element_type3A_364, %cond3A_365 : i32
      scf.if %cond3A_366 {
        %add3A_397 = arith.constant 1 : i32
        %add3A_398 = arith.addi %add3A_359, %add3A_397 : i32
        %mul3A_399 = arith.constant 80 : i32
        %mul3A_400 = arith.muli %add3A_398, %mul3A_399 : i32
        %add3A_401 = arith.addi %mul3A_161, %mul3A_400 : i32
        %dma_wait3A_402 = tpu.memref_slice %arg4[%add3A_401] : memref<640000xi32, #tpu.memory_space<hbm>> -> memref<80xi32, #tpu.memory_space<hbm>>
        %dma_wait3A_403 = tpu.memref_slice %arg4[%add3A_401] : memref<640000xi32, #tpu.memory_space<hbm>> -> memref<80xi32, #tpu.memory_space<hbm>>
        tpu.wait_dma2 semaphore(%arg19 : memref<!tpu.dma_semaphore, #tpu.memory_space<semaphore_mem>>) src(%dma_wait3A_403 : memref<80xi32, #tpu.memory_space<hbm>>) dst(%arg7 : memref<80xi32, #tpu.memory_space<vmem>>)
        %add3A_404 = arith.constant 320000 : i32
        %add3A_405 = arith.addi %add3A_404, %add3A_401 : i32
        %dma_wait3A_406 = tpu.memref_slice %arg4[%add3A_405] : memref<640000xi32, #tpu.memory_space<hbm>> -> memref<80xi32, #tpu.memory_space<hbm>>
        %dma_wait3A_407 = tpu.memref_slice %arg4[%add3A_405] : memref<640000xi32, #tpu.memory_space<hbm>> -> memref<80xi32, #tpu.memory_space<hbm>>
        tpu.wait_dma2 semaphore(%arg19 : memref<!tpu.dma_semaphore, #tpu.memory_space<semaphore_mem>>) src(%dma_wait3A_407 : memref<80xi32, #tpu.memory_space<hbm>>) dst(%arg9 : memref<80xi32, #tpu.memory_space<vmem>>)
        %add3A_408 = arith.constant 1 : i32
        %add3A_409 = arith.addi %add3A_359, %add3A_408 : i32
        %dma_start3A_410 = arith.constant 0 : i32
        %dma_start3A_411 = arith.constant 0 : i32
        %dma_start3A_412 = tpu.memref_slice %arg2[%dma_start3A_410, %dma_start3A_411] : memref<10000x128xf32, #tpu.memory_space<hbm>> -> memref<10000x128xf32, #tpu.memory_space<hbm>>
        tpu.enqueue_indirect_dma source(%dma_start3A_412 : memref<10000x128xf32, #tpu.memory_space<hbm>>) target(%arg11 : memref<80x128xf32, #tpu.memory_space<vmem>>) offsets(%arg7 : memref<80xi32, #tpu.memory_space<vmem>>) semaphore(%arg21 : memref<!tpu.dma_semaphore, #tpu.memory_space<semaphore_mem>>)
        %mul3A_413 = arith.constant 80 : i32
        %mul3A_414 = arith.muli %add3A_409, %mul3A_413 : i32
        %add3A_415 = arith.addi %mul3A_161, %mul3A_414 : i32
        %dma_start3A_416 = arith.constant 0 : i32
        %dma_start3A_417 = tpu.memref_slice %arg3[%add3A_415, %dma_start3A_416] : memref<320000x128xf32, #tpu.memory_space<hbm>> -> memref<80x128xf32, #tpu.memory_space<hbm>>
        %dma_start3A_418 = arith.constant 0 : i32
        %dma_start3A_419 = tpu.memref_slice %arg3[%add3A_415, %dma_start3A_418] : memref<320000x128xf32, #tpu.memory_space<hbm>> -> memref<80x128xf32, #tpu.memory_space<hbm>>
        tpu.enqueue_dma source(%dma_start3A_419 : memref<80x128xf32, #tpu.memory_space<hbm>>) target(%arg13 : memref<80x128xf32, #tpu.memory_space<vmem>>) target_semaphore(%arg21 : memref<!tpu.dma_semaphore, #tpu.memory_space<semaphore_mem>>)
      } else {
      }
      %dma_wait3A_367 = arith.constant 0 : i32
      %dma_wait3A_368 = arith.constant 0 : i32
      %dma_wait3A_369 = tpu.memref_slice %arg2[%dma_wait3A_367, %dma_wait3A_368] : memref<10000x128xf32, #tpu.memory_space<hbm>> -> memref<10000x128xf32, #tpu.memory_space<hbm>>
      tpu.wait_indirect_dma semaphore(%arg22 : memref<!tpu.dma_semaphore, #tpu.memory_space<semaphore_mem>>) src(%dma_wait3A_369 : memref<10000x128xf32, #tpu.memory_space<hbm>>) dst(%arg12 : memref<80x128xf32, #tpu.memory_space<vmem>>)
      %mul3A_370 = arith.constant 80 : i32
      %mul3A_371 = arith.muli %add3A_359, %mul3A_370 : i32
      %add3A_372 = arith.addi %mul3A_161, %mul3A_371 : i32
      %dma_wait3A_373 = arith.constant 0 : i32
      %dma_wait3A_374 = tpu.memref_slice %arg3[%add3A_372, %dma_wait3A_373] : memref<320000x128xf32, #tpu.memory_space<hbm>> -> memref<80x128xf32, #tpu.memory_space<hbm>>
      %dma_wait3A_375 = arith.constant 0 : i32
      %dma_wait3A_376 = tpu.memref_slice %arg3[%add3A_372, %dma_wait3A_375] : memref<320000x128xf32, #tpu.memory_space<hbm>> -> memref<80x128xf32, #tpu.memory_space<hbm>>
      tpu.wait_dma2 semaphore(%arg22 : memref<!tpu.dma_semaphore, #tpu.memory_space<semaphore_mem>>) src(%dma_wait3A_376 : memref<80x128xf32, #tpu.memory_space<hbm>>) dst(%arg14 : memref<80x128xf32, #tpu.memory_space<vmem>>)
      %parallel_loop3A_377 = arith.constant 0 : i32
      %parallel_loop3A_378 = arith.constant 80 : i32
      %parallel_loop3A_379 = arith.constant 1 : i32
      scf.for %parallel_loop3A_397 = %parallel_loop3A_377 to %parallel_loop3A_378 step %parallel_loop3A_379  : i32 {
        %parallel_loop3A_398 = arith.index_cast %parallel_loop3A_397 : i32 to index
        %parallel_loop3A_399 = arith.constant 0 : index
        %parallel_loop3A_400 = tpu.vector_load %arg12[%parallel_loop3A_398, %parallel_loop3A_399] {strides = array<i32>} : memref<80x128xf32, #tpu.memory_space<vmem>>, vector<1x16xf32>,
        %parallel_loop3A_401 = vector.shape_cast %parallel_loop3A_400 : vector<1x16xf32> to vector<16xf32>
        %parallel_loop3A_402 = arith.index_cast %parallel_loop3A_397 : i32 to index
        %parallel_loop3A_403 = arith.constant 0 : index
        %parallel_loop3A_404 = tpu.vector_load %arg14[%parallel_loop3A_402, %parallel_loop3A_403] {strides = array<i32>} : memref<80x128xf32, #tpu.memory_space<vmem>>, vector<1x16xf32>,
        %parallel_loop3A_405 = vector.shape_cast %parallel_loop3A_404 : vector<1x16xf32> to vector<16xf32>
        %parallel_loop3A_406 = arith.addf %parallel_loop3A_401, %parallel_loop3A_405 : vector<16xf32>
        %parallel_loop3A_407 = arith.constant 0.000000e+00 : f32
        %parallel_loop3A_408 = vector.broadcast %parallel_loop3A_407 : f32 to vector<16xf32>
        %parallel_loop3A_409 = arith.maximumf %parallel_loop3A_406, %parallel_loop3A_408 : vector<16xf32>
        %parallel_loop3A_410 = arith.index_cast %parallel_loop3A_397 : i32 to index
        %parallel_loop3A_411 = arith.constant 0 : index
        %parallel_loop3A_412 = tpu.vector_load %arg12[%parallel_loop3A_410, %parallel_loop3A_411] {strides = array<i32>} : memref<80x128xf32, #tpu.memory_space<vmem>>, vector<1x16xf32>,
        %parallel_loop3A_413 = vector.shape_cast %parallel_loop3A_412 : vector<1x16xf32> to vector<16xf32>
        %parallel_loop3A_414 = vector.shape_cast %parallel_loop3A_409 : vector<16xf32> to vector<1x16xf32>
        tpu.vector_store %arg12[%parallel_loop3A_410, %parallel_loop3A_411], %parallel_loop3A_414 {strides = array<i32>} : memref<80x128xf32, #tpu.memory_space<vmem>>, vector<1x16xf32>,
        %parallel_loop3A_415 = arith.index_cast %parallel_loop3A_397 : i32 to index
        %parallel_loop3A_416 = arith.constant 16 : index
        %parallel_loop3A_417 = tpu.vector_load %arg12[%parallel_loop3A_415, %parallel_loop3A_416] {strides = array<i32>} : memref<80x128xf32, #tpu.memory_space<vmem>>, vector<1x16xf32>,
        %parallel_loop3A_418 = vector.shape_cast %parallel_loop3A_417 : vector<1x16xf32> to vector<16xf32>
        %parallel_loop3A_419 = arith.index_cast %parallel_loop3A_397 : i32 to index
        %parallel_loop3A_420 = arith.constant 16 : index
        %parallel_loop3A_421 = tpu.vector_load %arg14[%parallel_loop3A_419, %parallel_loop3A_420] {strides = array<i32>} : memref<80x128xf32, #tpu.memory_space<vmem>>, vector<1x16xf32>,
        %parallel_loop3A_422 = vector.shape_cast %parallel_loop3A_421 : vector<1x16xf32> to vector<16xf32>
        %parallel_loop3A_423 = arith.addf %parallel_loop3A_418, %parallel_loop3A_422 : vector<16xf32>
        %parallel_loop3A_424 = arith.constant 0.000000e+00 : f32
        %parallel_loop3A_425 = vector.broadcast %parallel_loop3A_424 : f32 to vector<16xf32>
        %parallel_loop3A_426 = arith.maximumf %parallel_loop3A_423, %parallel_loop3A_425 : vector<16xf32>
        %parallel_loop3A_427 = arith.index_cast %parallel_loop3A_397 : i32 to index
        %parallel_loop3A_428 = arith.constant 16 : index
        %parallel_loop3A_429 = tpu.vector_load %arg12[%parallel_loop3A_427, %parallel_loop3A_428] {strides = array<i32>} : memref<80x128xf32, #tpu.memory_space<vmem>>, vector<1x16xf32>,
        %parallel_loop3A_430 = vector.shape_cast %parallel_loop3A_429 : vector<1x16xf32> to vector<16xf32>
        %parallel_loop3A_431 = vector.shape_cast %parallel_loop3A_426 : vector<16xf32> to vector<1x16xf32>
        tpu.vector_store %arg12[%parallel_loop3A_427, %parallel_loop3A_428], %parallel_loop3A_431 {strides = array<i32>} : memref<80x128xf32, #tpu.memory_space<vmem>>, vector<1x16xf32>,
        %parallel_loop3A_432 = arith.index_cast %parallel_loop3A_397 : i32 to index
        %parallel_loop3A_433 = arith.constant 32 : index
        %parallel_loop3A_434 = tpu.vector_load %arg12[%parallel_loop3A_432, %parallel_loop3A_433] {strides = array<i32>} : memref<80x128xf32, #tpu.memory_space<vmem>>, vector<1x16xf32>,
        %parallel_loop3A_435 = vector.shape_cast %parallel_loop3A_434 : vector<1x16xf32> to vector<16xf32>
        %parallel_loop3A_436 = arith.index_cast %parallel_loop3A_397 : i32 to index
        %parallel_loop3A_437 = arith.constant 32 : index
        %parallel_loop3A_438 = tpu.vector_load %arg14[%parallel_loop3A_436, %parallel_loop3A_437] {strides = array<i32>} : memref<80x128xf32, #tpu.memory_space<vmem>>, vector<1x16xf32>,
        %parallel_loop3A_439 = vector.shape_cast %parallel_loop3A_438 : vector<1x16xf32> to vector<16xf32>
        %parallel_loop3A_440 = arith.addf %parallel_loop3A_435, %parallel_loop3A_439 : vector<16xf32>
        %parallel_loop3A_441 = arith.constant 0.000000e+00 : f32
        %parallel_loop3A_442 = vector.broadcast %parallel_loop3A_441 : f32 to vector<16xf32>
        %parallel_loop3A_443 = arith.maximumf %parallel_loop3A_440, %parallel_loop3A_442 : vector<16xf32>
        %parallel_loop3A_444 = arith.index_cast %parallel_loop3A_397 : i32 to index
        %parallel_loop3A_445 = arith.constant 32 : index
        %parallel_loop3A_446 = tpu.vector_load %arg12[%parallel_loop3A_444, %parallel_loop3A_445] {strides = array<i32>} : memref<80x128xf32, #tpu.memory_space<vmem>>, vector<1x16xf32>,
        %parallel_loop3A_447 = vector.shape_cast %parallel_loop3A_446 : vector<1x16xf32> to vector<16xf32>
        %parallel_loop3A_448 = vector.shape_cast %parallel_loop3A_443 : vector<16xf32> to vector<1x16xf32>
        tpu.vector_store %arg12[%parallel_loop3A_444, %parallel_loop3A_445], %parallel_loop3A_448 {strides = array<i32>} : memref<80x128xf32, #tpu.memory_space<vmem>>, vector<1x16xf32>,
        %parallel_loop3A_449 = arith.index_cast %parallel_loop3A_397 : i32 to index
        %parallel_loop3A_450 = arith.constant 48 : index
        %parallel_loop3A_451 = tpu.vector_load %arg12[%parallel_loop3A_449, %parallel_loop3A_450] {strides = array<i32>} : memref<80x128xf32, #tpu.memory_space<vmem>>, vector<1x16xf32>,
        %parallel_loop3A_452 = vector.shape_cast %parallel_loop3A_451 : vector<1x16xf32> to vector<16xf32>
        %parallel_loop3A_453 = arith.index_cast %parallel_loop3A_397 : i32 to index
        %parallel_loop3A_454 = arith.constant 48 : index
        %parallel_loop3A_455 = tpu.vector_load %arg14[%parallel_loop3A_453, %parallel_loop3A_454] {strides = array<i32>} : memref<80x128xf32, #tpu.memory_space<vmem>>, vector<1x16xf32>,
        %parallel_loop3A_456 = vector.shape_cast %parallel_loop3A_455 : vector<1x16xf32> to vector<16xf32>
        %parallel_loop3A_457 = arith.addf %parallel_loop3A_452, %parallel_loop3A_456 : vector<16xf32>
        %parallel_loop3A_458 = arith.constant 0.000000e+00 : f32
        %parallel_loop3A_459 = vector.broadcast %parallel_loop3A_458 : f32 to vector<16xf32>
        %parallel_loop3A_460 = arith.maximumf %parallel_loop3A_457, %parallel_loop3A_459 : vector<16xf32>
        %parallel_loop3A_461 = arith.index_cast %parallel_loop3A_397 : i32 to index
        %parallel_loop3A_462 = arith.constant 48 : index
        %parallel_loop3A_463 = tpu.vector_load %arg12[%parallel_loop3A_461, %parallel_loop3A_462] {strides = array<i32>} : memref<80x128xf32, #tpu.memory_space<vmem>>, vector<1x16xf32>,
        %parallel_loop3A_464 = vector.shape_cast %parallel_loop3A_463 : vector<1x16xf32> to vector<16xf32>
        %parallel_loop3A_465 = vector.shape_cast %parallel_loop3A_460 : vector<16xf32> to vector<1x16xf32>
        tpu.vector_store %arg12[%parallel_loop3A_461, %parallel_loop3A_462], %parallel_loop3A_465 {strides = array<i32>} : memref<80x128xf32, #tpu.memory_space<vmem>>, vector<1x16xf32>,
        %parallel_loop3A_466 = arith.index_cast %parallel_loop3A_397 : i32 to index
        %parallel_loop3A_467 = arith.constant 64 : index
        %parallel_loop3A_468 = tpu.vector_load %arg12[%parallel_loop3A_466, %parallel_loop3A_467] {strides = array<i32>} : memref<80x128xf32, #tpu.memory_space<vmem>>, vector<1x16xf32>,
        %parallel_loop3A_469 = vector.shape_cast %parallel_loop3A_468 : vector<1x16xf32> to vector<16xf32>
        %parallel_loop3A_470 = arith.index_cast %parallel_loop3A_397 : i32 to index
        %parallel_loop3A_471 = arith.constant 64 : index
        %parallel_loop3A_472 = tpu.vector_load %arg14[%parallel_loop3A_470, %parallel_loop3A_471] {strides = array<i32>} : memref<80x128xf32, #tpu.memory_space<vmem>>, vector<1x16xf32>,
        %parallel_loop3A_473 = vector.shape_cast %parallel_loop3A_472 : vector<1x16xf32> to vector<16xf32>
        %parallel_loop3A_474 = arith.addf %parallel_loop3A_469, %parallel_loop3A_473 : vector<16xf32>
        %parallel_loop3A_475 = arith.constant 0.000000e+00 : f32
        %parallel_loop3A_476 = vector.broadcast %parallel_loop3A_475 : f32 to vector<16xf32>
        %parallel_loop3A_477 = arith.maximumf %parallel_loop3A_474, %parallel_loop3A_476 : vector<16xf32>
        %parallel_loop3A_478 = arith.index_cast %parallel_loop3A_397 : i32 to index
        %parallel_loop3A_479 = arith.constant 64 : index
        %parallel_loop3A_480 = tpu.vector_load %arg12[%parallel_loop3A_478, %parallel_loop3A_479] {strides = array<i32>} : memref<80x128xf32, #tpu.memory_space<vmem>>, vector<1x16xf32>,
        %parallel_loop3A_481 = vector.shape_cast %parallel_loop3A_480 : vector<1x16xf32> to vector<16xf32>
        %parallel_loop3A_482 = vector.shape_cast %parallel_loop3A_477 : vector<16xf32> to vector<1x16xf32>
        tpu.vector_store %arg12[%parallel_loop3A_478, %parallel_loop3A_479], %parallel_loop3A_482 {strides = array<i32>} : memref<80x128xf32, #tpu.memory_space<vmem>>, vector<1x16xf32>,
        %parallel_loop3A_483 = arith.index_cast %parallel_loop3A_397 : i32 to index
        %parallel_loop3A_484 = arith.constant 80 : index
        %parallel_loop3A_485 = tpu.vector_load %arg12[%parallel_loop3A_483, %parallel_loop3A_484] {strides = array<i32>} : memref<80x128xf32, #tpu.memory_space<vmem>>, vector<1x16xf32>,
        %parallel_loop3A_486 = vector.shape_cast %parallel_loop3A_485 : vector<1x16xf32> to vector<16xf32>
        %parallel_loop3A_487 = arith.index_cast %parallel_loop3A_397 : i32 to index
        %parallel_loop3A_488 = arith.constant 80 : index
        %parallel_loop3A_489 = tpu.vector_load %arg14[%parallel_loop3A_487, %parallel_loop3A_488] {strides = array<i32>} : memref<80x128xf32, #tpu.memory_space<vmem>>, vector<1x16xf32>,
        %parallel_loop3A_490 = vector.shape_cast %parallel_loop3A_489 : vector<1x16xf32> to vector<16xf32>
        %parallel_loop3A_491 = arith.addf %parallel_loop3A_486, %parallel_loop3A_490 : vector<16xf32>
        %parallel_loop3A_492 = arith.constant 0.000000e+00 : f32
        %parallel_loop3A_493 = vector.broadcast %parallel_loop3A_492 : f32 to vector<16xf32>
        %parallel_loop3A_494 = arith.maximumf %parallel_loop3A_491, %parallel_loop3A_493 : vector<16xf32>
        %parallel_loop3A_495 = arith.index_cast %parallel_loop3A_397 : i32 to index
        %parallel_loop3A_496 = arith.constant 80 : index
        %parallel_loop3A_497 = tpu.vector_load %arg12[%parallel_loop3A_495, %parallel_loop3A_496] {strides = array<i32>} : memref<80x128xf32, #tpu.memory_space<vmem>>, vector<1x16xf32>,
        %parallel_loop3A_498 = vector.shape_cast %parallel_loop3A_497 : vector<1x16xf32> to vector<16xf32>
        %parallel_loop3A_499 = vector.shape_cast %parallel_loop3A_494 : vector<16xf32> to vector<1x16xf32>
        tpu.vector_store %arg12[%parallel_loop3A_495, %parallel_loop3A_496], %parallel_loop3A_499 {strides = array<i32>} : memref<80x128xf32, #tpu.memory_space<vmem>>, vector<1x16xf32>,
        %parallel_loop3A_500 = arith.index_cast %parallel_loop3A_397 : i32 to index
        %parallel_loop3A_501 = arith.constant 96 : index
        %parallel_loop3A_502 = tpu.vector_load %arg12[%parallel_loop3A_500, %parallel_loop3A_501] {strides = array<i32>} : memref<80x128xf32, #tpu.memory_space<vmem>>, vector<1x16xf32>,
        %parallel_loop3A_503 = vector.shape_cast %parallel_loop3A_502 : vector<1x16xf32> to vector<16xf32>
        %parallel_loop3A_504 = arith.index_cast %parallel_loop3A_397 : i32 to index
        %parallel_loop3A_505 = arith.constant 96 : index
        %parallel_loop3A_506 = tpu.vector_load %arg14[%parallel_loop3A_504, %parallel_loop3A_505] {strides = array<i32>} : memref<80x128xf32, #tpu.memory_space<vmem>>, vector<1x16xf32>,
        %parallel_loop3A_507 = vector.shape_cast %parallel_loop3A_506 : vector<1x16xf32> to vector<16xf32>
        %parallel_loop3A_508 = arith.addf %parallel_loop3A_503, %parallel_loop3A_507 : vector<16xf32>
        %parallel_loop3A_509 = arith.constant 0.000000e+00 : f32
        %parallel_loop3A_510 = vector.broadcast %parallel_loop3A_509 : f32 to vector<16xf32>
        %parallel_loop3A_511 = arith.maximumf %parallel_loop3A_508, %parallel_loop3A_510 : vector<16xf32>
        %parallel_loop3A_512 = arith.index_cast %parallel_loop3A_397 : i32 to index
        %parallel_loop3A_513 = arith.constant 96 : index
        %parallel_loop3A_514 = tpu.vector_load %arg12[%parallel_loop3A_512, %parallel_loop3A_513] {strides = array<i32>} : memref<80x128xf32, #tpu.memory_space<vmem>>, vector<1x16xf32>,
        %parallel_loop3A_515 = vector.shape_cast %parallel_loop3A_514 : vector<1x16xf32> to vector<16xf32>
        %parallel_loop3A_516 = vector.shape_cast %parallel_loop3A_511 : vector<16xf32> to vector<1x16xf32>
        tpu.vector_store %arg12[%parallel_loop3A_512, %parallel_loop3A_513], %parallel_loop3A_516 {strides = array<i32>} : memref<80x128xf32, #tpu.memory_space<vmem>>, vector<1x16xf32>,
        %parallel_loop3A_517 = arith.index_cast %parallel_loop3A_397 : i32 to index
        %parallel_loop3A_518 = arith.constant 112 : index
        %parallel_loop3A_519 = tpu.vector_load %arg12[%parallel_loop3A_517, %parallel_loop3A_518] {strides = array<i32>} : memref<80x128xf32, #tpu.memory_space<vmem>>, vector<1x16xf32>,
        %parallel_loop3A_520 = vector.shape_cast %parallel_loop3A_519 : vector<1x16xf32> to vector<16xf32>
        %parallel_loop3A_521 = arith.index_cast %parallel_loop3A_397 : i32 to index
        %parallel_loop3A_522 = arith.constant 112 : index
        %parallel_loop3A_523 = tpu.vector_load %arg14[%parallel_loop3A_521, %parallel_loop3A_522] {strides = array<i32>} : memref<80x128xf32, #tpu.memory_space<vmem>>, vector<1x16xf32>,
        %parallel_loop3A_524 = vector.shape_cast %parallel_loop3A_523 : vector<1x16xf32> to vector<16xf32>
        %parallel_loop3A_525 = arith.addf %parallel_loop3A_520, %parallel_loop3A_524 : vector<16xf32>
        %parallel_loop3A_526 = arith.constant 0.000000e+00 : f32
        %parallel_loop3A_527 = vector.broadcast %parallel_loop3A_526 : f32 to vector<16xf32>
        %parallel_loop3A_528 = arith.maximumf %parallel_loop3A_525, %parallel_loop3A_527 : vector<16xf32>
        %parallel_loop3A_529 = arith.index_cast %parallel_loop3A_397 : i32 to index
        %parallel_loop3A_530 = arith.constant 112 : index
        %parallel_loop3A_531 = tpu.vector_load %arg12[%parallel_loop3A_529, %parallel_loop3A_530] {strides = array<i32>} : memref<80x128xf32, #tpu.memory_space<vmem>>, vector<1x16xf32>,
        %parallel_loop3A_532 = vector.shape_cast %parallel_loop3A_531 : vector<1x16xf32> to vector<16xf32>
        %parallel_loop3A_533 = vector.shape_cast %parallel_loop3A_528 : vector<16xf32> to vector<1x16xf32>
        tpu.vector_store %arg12[%parallel_loop3A_529, %parallel_loop3A_530], %parallel_loop3A_533 {strides = array<i32>} : memref<80x128xf32, #tpu.memory_space<vmem>>, vector<1x16xf32>,
      } {sc.loop_unroll_factor = 1 : i64, sc.parallel_access}
      %dma_start3A_380 = arith.constant 0 : i32
      %dma_start3A_381 = arith.constant 0 : i32
      %dma_start3A_382 = tpu.memref_slice %arg17[%dma_start3A_380, %dma_start3A_381] : memref<10240x128xf32, #tpu.memory_space<vmem_shared>> -> memref<10240x128xf32, #tpu.memory_space<vmem_shared>>
      tpu.enqueue_indirect_dma source(%arg12 : memref<80x128xf32, #tpu.memory_space<vmem>>) target(%dma_start3A_382 : memref<10240x128xf32, #tpu.memory_space<vmem_shared>>) offsets(%arg10 : memref<80xi32, #tpu.memory_space<vmem>>) semaphore(%arg23 : memref<!tpu.dma_semaphore, #tpu.memory_space<semaphore_mem>>) {add = true}
      %dma_start3A_383 = arith.constant 0 : i32
      %dma_start3A_384 = tpu.memref_slice %arg18[%dma_start3A_383] : memref<10240xf32, #tpu.memory_space<vmem_shared>> -> memref<10240xf32, #tpu.memory_space<vmem_shared>>
      tpu.enqueue_indirect_dma source(%arg15 : memref<80xf32, #tpu.memory_space<vmem>>) target(%dma_start3A_384 : memref<10240xf32, #tpu.memory_space<vmem_shared>>) offsets(%arg10 : memref<80xi32, #tpu.memory_space<vmem>>) semaphore(%arg23 : memref<!tpu.dma_semaphore, #tpu.memory_space<semaphore_mem>>) {add = true}
      %dma_wait3A_385 = arith.constant 0 : i32
      %dma_wait3A_386 = arith.constant 0 : i32
      %dma_wait3A_387 = tpu.memref_slice %arg17[%dma_wait3A_385, %dma_wait3A_386] : memref<10240x128xf32, #tpu.memory_space<vmem_shared>> -> memref<10240x128xf32, #tpu.memory_space<vmem_shared>>
      tpu.wait_indirect_dma semaphore(%arg23 : memref<!tpu.dma_semaphore, #tpu.memory_space<semaphore_mem>>) src(%arg12 : memref<80x128xf32, #tpu.memory_space<vmem>>) dst(%dma_wait3A_387 : memref<10240x128xf32, #tpu.memory_space<vmem_shared>>)
      %dma_wait3A_388 = arith.constant 0 : i32
      %dma_wait3A_389 = tpu.memref_slice %arg18[%dma_wait3A_388] : memref<10240xf32, #tpu.memory_space<vmem_shared>> -> memref<10240xf32, #tpu.memory_space<vmem_shared>>
      tpu.wait_indirect_dma semaphore(%arg23 : memref<!tpu.dma_semaphore, #tpu.memory_space<semaphore_mem>>) src(%arg15 : memref<80xf32, #tpu.memory_space<vmem>>) dst(%dma_wait3A_389 : memref<10240xf32, #tpu.memory_space<vmem_shared>>)
      %add3A_390 = arith.constant 2 : i32
      %add3A_391 = arith.addi %add3A_359, %add3A_390 : i32
      %lt3A_392 = arith.constant 125 : i32
      %lt3A_393 = arith.cmpi slt, %add3A_391, %lt3A_392 : i32
      %convert_element_type3A_394 = arith.extui %lt3A_393 : i1 to i32
      %cond3A_395 = arith.constant 0 : i32
      %cond3A_396 = arith.cmpi ne, %convert_element_type3A_394, %cond3A_395 : i32
      scf.if %cond3A_396 {
        %add3A_397 = arith.constant 2 : i32
        %add3A_398 = arith.addi %add3A_359, %add3A_397 : i32
        %mul3A_399 = arith.constant 80 : i32
        %mul3A_400 = arith.muli %add3A_398, %mul3A_399 : i32
        %add3A_401 = arith.addi %mul3A_161, %mul3A_400 : i32
        %dma_start3A_402 = tpu.memref_slice %arg4[%add3A_401] : memref<640000xi32, #tpu.memory_space<hbm>> -> memref<80xi32, #tpu.memory_space<hbm>>
        %dma_start3A_403 = tpu.memref_slice %arg4[%add3A_401] : memref<640000xi32, #tpu.memory_space<hbm>> -> memref<80xi32, #tpu.memory_space<hbm>>
        tpu.enqueue_dma source(%dma_start3A_403 : memref<80xi32, #tpu.memory_space<hbm>>) target(%arg8 : memref<80xi32, #tpu.memory_space<vmem>>) target_semaphore(%arg20 : memref<!tpu.dma_semaphore, #tpu.memory_space<semaphore_mem>>)
        %add3A_404 = arith.constant 320000 : i32
        %add3A_405 = arith.addi %add3A_404, %add3A_401 : i32
        %dma_start3A_406 = tpu.memref_slice %arg4[%add3A_405] : memref<640000xi32, #tpu.memory_space<hbm>> -> memref<80xi32, #tpu.memory_space<hbm>>
        %dma_start3A_407 = tpu.memref_slice %arg4[%add3A_405] : memref<640000xi32, #tpu.memory_space<hbm>> -> memref<80xi32, #tpu.memory_space<hbm>>
        tpu.enqueue_dma source(%dma_start3A_407 : memref<80xi32, #tpu.memory_space<hbm>>) target(%arg10 : memref<80xi32, #tpu.memory_space<vmem>>) target_semaphore(%arg20 : memref<!tpu.dma_semaphore, #tpu.memory_space<semaphore_mem>>)
      } else {
      }
    }
    %scan3A_199 = arith.constant 62 : i32
    %dma_wait3A_200 = arith.constant 0 : i32
    %dma_wait3A_201 = arith.constant 0 : i32
    %dma_wait3A_202 = tpu.memref_slice %arg2[%dma_wait3A_200, %dma_wait3A_201] : memref<10000x128xf32, #tpu.memory_space<hbm>> -> memref<10000x128xf32, #tpu.memory_space<hbm>>
    tpu.wait_indirect_dma semaphore(%arg21 : memref<!tpu.dma_semaphore, #tpu.memory_space<semaphore_mem>>) src(%dma_wait3A_202 : memref<10000x128xf32, #tpu.memory_space<hbm>>) dst(%arg11 : memref<80x128xf32, #tpu.memory_space<vmem>>)
    %add3A_203 = arith.constant 9920 : i32
    %add3A_204 = arith.addi %mul3A_161, %add3A_203 : i32
    %dma_wait3A_205 = arith.constant 0 : i32
    %dma_wait3A_206 = tpu.memref_slice %arg3[%add3A_204, %dma_wait3A_205] : memref<320000x128xf32, #tpu.memory_space<hbm>> -> memref<80x128xf32, #tpu.memory_space<hbm>>
    %dma_wait3A_207 = arith.constant 0 : i32
    %dma_wait3A_208 = tpu.memref_slice %arg3[%add3A_204, %dma_wait3A_207] : memref<320000x128xf32, #tpu.memory_space<hbm>> -> memref<80x128xf32, #tpu.memory_space<hbm>>
    tpu.wait_dma2 semaphore(%arg21 : memref<!tpu.dma_semaphore, #tpu.memory_space<semaphore_mem>>) src(%dma_wait3A_208 : memref<80x128xf32, #tpu.memory_space<hbm>>) dst(%arg13 : memref<80x128xf32, #tpu.memory_space<vmem>>)
    %parallel_loop3A = arith.constant 0 : i32
    %parallel_loop3A_209 = arith.constant 80 : i32
    %parallel_loop3A_210 = arith.constant 1 : i32
    scf.for %parallel_loop3A_317 = %parallel_loop3A to %parallel_loop3A_209 step %parallel_loop3A_210  : i32 {
      %parallel_loop3A_318 = arith.index_cast %parallel_loop3A_317 : i32 to index
      %parallel_loop3A_319 = arith.constant 0 : index
      %parallel_loop3A_320 = tpu.vector_load %arg11[%parallel_loop3A_318, %parallel_loop3A_319] {strides = array<i32>} : memref<80x128xf32, #tpu.memory_space<vmem>>, vector<1x16xf32>,
      %parallel_loop3A_321 = vector.shape_cast %parallel_loop3A_320 : vector<1x16xf32> to vector<16xf32>
      %parallel_loop3A_322 = arith.index_cast %parallel_loop3A_317 : i32 to index
      %parallel_loop3A_323 = arith.constant 0 : index
      %parallel_loop3A_324 = tpu.vector_load %arg13[%parallel_loop3A_322, %parallel_loop3A_323] {strides = array<i32>} : memref<80x128xf32, #tpu.memory_space<vmem>>, vector<1x16xf32>,
      %parallel_loop3A_325 = vector.shape_cast %parallel_loop3A_324 : vector<1x16xf32> to vector<16xf32>
      %parallel_loop3A_326 = arith.addf %parallel_loop3A_321, %parallel_loop3A_325 : vector<16xf32>
      %parallel_loop3A_327 = arith.constant 0.000000e+00 : f32
      %parallel_loop3A_328 = vector.broadcast %parallel_loop3A_327 : f32 to vector<16xf32>
      %parallel_loop3A_329 = arith.maximumf %parallel_loop3A_326, %parallel_loop3A_328 : vector<16xf32>
      %parallel_loop3A_330 = arith.index_cast %parallel_loop3A_317 : i32 to index
      %parallel_loop3A_331 = arith.constant 0 : index
      %parallel_loop3A_332 = tpu.vector_load %arg11[%parallel_loop3A_330, %parallel_loop3A_331] {strides = array<i32>} : memref<80x128xf32, #tpu.memory_space<vmem>>, vector<1x16xf32>,
      %parallel_loop3A_333 = vector.shape_cast %parallel_loop3A_332 : vector<1x16xf32> to vector<16xf32>
      %parallel_loop3A_334 = vector.shape_cast %parallel_loop3A_329 : vector<16xf32> to vector<1x16xf32>
      tpu.vector_store %arg11[%parallel_loop3A_330, %parallel_loop3A_331], %parallel_loop3A_334 {strides = array<i32>} : memref<80x128xf32, #tpu.memory_space<vmem>>, vector<1x16xf32>,
      %parallel_loop3A_335 = arith.index_cast %parallel_loop3A_317 : i32 to index
      %parallel_loop3A_336 = arith.constant 16 : index
      %parallel_loop3A_337 = tpu.vector_load %arg11[%parallel_loop3A_335, %parallel_loop3A_336] {strides = array<i32>} : memref<80x128xf32, #tpu.memory_space<vmem>>, vector<1x16xf32>,
      %parallel_loop3A_338 = vector.shape_cast %parallel_loop3A_337 : vector<1x16xf32> to vector<16xf32>
      %parallel_loop3A_339 = arith.index_cast %parallel_loop3A_317 : i32 to index
      %parallel_loop3A_340 = arith.constant 16 : index
      %parallel_loop3A_341 = tpu.vector_load %arg13[%parallel_loop3A_339, %parallel_loop3A_340] {strides = array<i32>} : memref<80x128xf32, #tpu.memory_space<vmem>>, vector<1x16xf32>,
      %parallel_loop3A_342 = vector.shape_cast %parallel_loop3A_341 : vector<1x16xf32> to vector<16xf32>
      %parallel_loop3A_343 = arith.addf %parallel_loop3A_338, %parallel_loop3A_342 : vector<16xf32>
      %parallel_loop3A_344 = arith.constant 0.000000e+00 : f32
      %parallel_loop3A_345 = vector.broadcast %parallel_loop3A_344 : f32 to vector<16xf32>
      %parallel_loop3A_346 = arith.maximumf %parallel_loop3A_343, %parallel_loop3A_345 : vector<16xf32>
      %parallel_loop3A_347 = arith.index_cast %parallel_loop3A_317 : i32 to index
      %parallel_loop3A_348 = arith.constant 16 : index
      %parallel_loop3A_349 = tpu.vector_load %arg11[%parallel_loop3A_347, %parallel_loop3A_348] {strides = array<i32>} : memref<80x128xf32, #tpu.memory_space<vmem>>, vector<1x16xf32>,
      %parallel_loop3A_350 = vector.shape_cast %parallel_loop3A_349 : vector<1x16xf32> to vector<16xf32>
      %parallel_loop3A_351 = vector.shape_cast %parallel_loop3A_346 : vector<16xf32> to vector<1x16xf32>
      tpu.vector_store %arg11[%parallel_loop3A_347, %parallel_loop3A_348], %parallel_loop3A_351 {strides = array<i32>} : memref<80x128xf32, #tpu.memory_space<vmem>>, vector<1x16xf32>,
      %parallel_loop3A_352 = arith.index_cast %parallel_loop3A_317 : i32 to index
      %parallel_loop3A_353 = arith.constant 32 : index
      %parallel_loop3A_354 = tpu.vector_load %arg11[%parallel_loop3A_352, %parallel_loop3A_353] {strides = array<i32>} : memref<80x128xf32, #tpu.memory_space<vmem>>, vector<1x16xf32>,
      %parallel_loop3A_355 = vector.shape_cast %parallel_loop3A_354 : vector<1x16xf32> to vector<16xf32>
      %parallel_loop3A_356 = arith.index_cast %parallel_loop3A_317 : i32 to index
      %parallel_loop3A_357 = arith.constant 32 : index
      %parallel_loop3A_358 = tpu.vector_load %arg13[%parallel_loop3A_356, %parallel_loop3A_357] {strides = array<i32>} : memref<80x128xf32, #tpu.memory_space<vmem>>, vector<1x16xf32>,
      %parallel_loop3A_359 = vector.shape_cast %parallel_loop3A_358 : vector<1x16xf32> to vector<16xf32>
      %parallel_loop3A_360 = arith.addf %parallel_loop3A_355, %parallel_loop3A_359 : vector<16xf32>
      %parallel_loop3A_361 = arith.constant 0.000000e+00 : f32
      %parallel_loop3A_362 = vector.broadcast %parallel_loop3A_361 : f32 to vector<16xf32>
      %parallel_loop3A_363 = arith.maximumf %parallel_loop3A_360, %parallel_loop3A_362 : vector<16xf32>
      %parallel_loop3A_364 = arith.index_cast %parallel_loop3A_317 : i32 to index
      %parallel_loop3A_365 = arith.constant 32 : index
      %parallel_loop3A_366 = tpu.vector_load %arg11[%parallel_loop3A_364, %parallel_loop3A_365] {strides = array<i32>} : memref<80x128xf32, #tpu.memory_space<vmem>>, vector<1x16xf32>,
      %parallel_loop3A_367 = vector.shape_cast %parallel_loop3A_366 : vector<1x16xf32> to vector<16xf32>
      %parallel_loop3A_368 = vector.shape_cast %parallel_loop3A_363 : vector<16xf32> to vector<1x16xf32>
      tpu.vector_store %arg11[%parallel_loop3A_364, %parallel_loop3A_365], %parallel_loop3A_368 {strides = array<i32>} : memref<80x128xf32, #tpu.memory_space<vmem>>, vector<1x16xf32>,
      %parallel_loop3A_369 = arith.index_cast %parallel_loop3A_317 : i32 to index
      %parallel_loop3A_370 = arith.constant 48 : index
      %parallel_loop3A_371 = tpu.vector_load %arg11[%parallel_loop3A_369, %parallel_loop3A_370] {strides = array<i32>} : memref<80x128xf32, #tpu.memory_space<vmem>>, vector<1x16xf32>,
      %parallel_loop3A_372 = vector.shape_cast %parallel_loop3A_371 : vector<1x16xf32> to vector<16xf32>
      %parallel_loop3A_373 = arith.index_cast %parallel_loop3A_317 : i32 to index
      %parallel_loop3A_374 = arith.constant 48 : index
      %parallel_loop3A_375 = tpu.vector_load %arg13[%parallel_loop3A_373, %parallel_loop3A_374] {strides = array<i32>} : memref<80x128xf32, #tpu.memory_space<vmem>>, vector<1x16xf32>,
      %parallel_loop3A_376 = vector.shape_cast %parallel_loop3A_375 : vector<1x16xf32> to vector<16xf32>
      %parallel_loop3A_377 = arith.addf %parallel_loop3A_372, %parallel_loop3A_376 : vector<16xf32>
      %parallel_loop3A_378 = arith.constant 0.000000e+00 : f32
      %parallel_loop3A_379 = vector.broadcast %parallel_loop3A_378 : f32 to vector<16xf32>
      %parallel_loop3A_380 = arith.maximumf %parallel_loop3A_377, %parallel_loop3A_379 : vector<16xf32>
      %parallel_loop3A_381 = arith.index_cast %parallel_loop3A_317 : i32 to index
      %parallel_loop3A_382 = arith.constant 48 : index
      %parallel_loop3A_383 = tpu.vector_load %arg11[%parallel_loop3A_381, %parallel_loop3A_382] {strides = array<i32>} : memref<80x128xf32, #tpu.memory_space<vmem>>, vector<1x16xf32>,
      %parallel_loop3A_384 = vector.shape_cast %parallel_loop3A_383 : vector<1x16xf32> to vector<16xf32>
      %parallel_loop3A_385 = vector.shape_cast %parallel_loop3A_380 : vector<16xf32> to vector<1x16xf32>
      tpu.vector_store %arg11[%parallel_loop3A_381, %parallel_loop3A_382], %parallel_loop3A_385 {strides = array<i32>} : memref<80x128xf32, #tpu.memory_space<vmem>>, vector<1x16xf32>,
      %parallel_loop3A_386 = arith.index_cast %parallel_loop3A_317 : i32 to index
      %parallel_loop3A_387 = arith.constant 64 : index
      %parallel_loop3A_388 = tpu.vector_load %arg11[%parallel_loop3A_386, %parallel_loop3A_387] {strides = array<i32>} : memref<80x128xf32, #tpu.memory_space<vmem>>, vector<1x16xf32>,
      %parallel_loop3A_389 = vector.shape_cast %parallel_loop3A_388 : vector<1x16xf32> to vector<16xf32>
      %parallel_loop3A_390 = arith.index_cast %parallel_loop3A_317 : i32 to index
      %parallel_loop3A_391 = arith.constant 64 : index
      %parallel_loop3A_392 = tpu.vector_load %arg13[%parallel_loop3A_390, %parallel_loop3A_391] {strides = array<i32>} : memref<80x128xf32, #tpu.memory_space<vmem>>, vector<1x16xf32>,
      %parallel_loop3A_393 = vector.shape_cast %parallel_loop3A_392 : vector<1x16xf32> to vector<16xf32>
      %parallel_loop3A_394 = arith.addf %parallel_loop3A_389, %parallel_loop3A_393 : vector<16xf32>
      %parallel_loop3A_395 = arith.constant 0.000000e+00 : f32
      %parallel_loop3A_396 = vector.broadcast %parallel_loop3A_395 : f32 to vector<16xf32>
      %parallel_loop3A_397 = arith.maximumf %parallel_loop3A_394, %parallel_loop3A_396 : vector<16xf32>
      %parallel_loop3A_398 = arith.index_cast %parallel_loop3A_317 : i32 to index
      %parallel_loop3A_399 = arith.constant 64 : index
      %parallel_loop3A_400 = tpu.vector_load %arg11[%parallel_loop3A_398, %parallel_loop3A_399] {strides = array<i32>} : memref<80x128xf32, #tpu.memory_space<vmem>>, vector<1x16xf32>,
      %parallel_loop3A_401 = vector.shape_cast %parallel_loop3A_400 : vector<1x16xf32> to vector<16xf32>
      %parallel_loop3A_402 = vector.shape_cast %parallel_loop3A_397 : vector<16xf32> to vector<1x16xf32>
      tpu.vector_store %arg11[%parallel_loop3A_398, %parallel_loop3A_399], %parallel_loop3A_402 {strides = array<i32>} : memref<80x128xf32, #tpu.memory_space<vmem>>, vector<1x16xf32>,
      %parallel_loop3A_403 = arith.index_cast %parallel_loop3A_317 : i32 to index
      %parallel_loop3A_404 = arith.constant 80 : index
      %parallel_loop3A_405 = tpu.vector_load %arg11[%parallel_loop3A_403, %parallel_loop3A_404] {strides = array<i32>} : memref<80x128xf32, #tpu.memory_space<vmem>>, vector<1x16xf32>,
      %parallel_loop3A_406 = vector.shape_cast %parallel_loop3A_405 : vector<1x16xf32> to vector<16xf32>
      %parallel_loop3A_407 = arith.index_cast %parallel_loop3A_317 : i32 to index
      %parallel_loop3A_408 = arith.constant 80 : index
      %parallel_loop3A_409 = tpu.vector_load %arg13[%parallel_loop3A_407, %parallel_loop3A_408] {strides = array<i32>} : memref<80x128xf32, #tpu.memory_space<vmem>>, vector<1x16xf32>,
      %parallel_loop3A_410 = vector.shape_cast %parallel_loop3A_409 : vector<1x16xf32> to vector<16xf32>
      %parallel_loop3A_411 = arith.addf %parallel_loop3A_406, %parallel_loop3A_410 : vector<16xf32>
      %parallel_loop3A_412 = arith.constant 0.000000e+00 : f32
      %parallel_loop3A_413 = vector.broadcast %parallel_loop3A_412 : f32 to vector<16xf32>
      %parallel_loop3A_414 = arith.maximumf %parallel_loop3A_411, %parallel_loop3A_413 : vector<16xf32>
      %parallel_loop3A_415 = arith.index_cast %parallel_loop3A_317 : i32 to index
      %parallel_loop3A_416 = arith.constant 80 : index
      %parallel_loop3A_417 = tpu.vector_load %arg11[%parallel_loop3A_415, %parallel_loop3A_416] {strides = array<i32>} : memref<80x128xf32, #tpu.memory_space<vmem>>, vector<1x16xf32>,
      %parallel_loop3A_418 = vector.shape_cast %parallel_loop3A_417 : vector<1x16xf32> to vector<16xf32>
      %parallel_loop3A_419 = vector.shape_cast %parallel_loop3A_414 : vector<16xf32> to vector<1x16xf32>
      tpu.vector_store %arg11[%parallel_loop3A_415, %parallel_loop3A_416], %parallel_loop3A_419 {strides = array<i32>} : memref<80x128xf32, #tpu.memory_space<vmem>>, vector<1x16xf32>,
      %parallel_loop3A_420 = arith.index_cast %parallel_loop3A_317 : i32 to index
      %parallel_loop3A_421 = arith.constant 96 : index
      %parallel_loop3A_422 = tpu.vector_load %arg11[%parallel_loop3A_420, %parallel_loop3A_421] {strides = array<i32>} : memref<80x128xf32, #tpu.memory_space<vmem>>, vector<1x16xf32>,
      %parallel_loop3A_423 = vector.shape_cast %parallel_loop3A_422 : vector<1x16xf32> to vector<16xf32>
      %parallel_loop3A_424 = arith.index_cast %parallel_loop3A_317 : i32 to index
      %parallel_loop3A_425 = arith.constant 96 : index
      %parallel_loop3A_426 = tpu.vector_load %arg13[%parallel_loop3A_424, %parallel_loop3A_425] {strides = array<i32>} : memref<80x128xf32, #tpu.memory_space<vmem>>, vector<1x16xf32>,
      %parallel_loop3A_427 = vector.shape_cast %parallel_loop3A_426 : vector<1x16xf32> to vector<16xf32>
      %parallel_loop3A_428 = arith.addf %parallel_loop3A_423, %parallel_loop3A_427 : vector<16xf32>
      %parallel_loop3A_429 = arith.constant 0.000000e+00 : f32
      %parallel_loop3A_430 = vector.broadcast %parallel_loop3A_429 : f32 to vector<16xf32>
      %parallel_loop3A_431 = arith.maximumf %parallel_loop3A_428, %parallel_loop3A_430 : vector<16xf32>
      %parallel_loop3A_432 = arith.index_cast %parallel_loop3A_317 : i32 to index
      %parallel_loop3A_433 = arith.constant 96 : index
      %parallel_loop3A_434 = tpu.vector_load %arg11[%parallel_loop3A_432, %parallel_loop3A_433] {strides = array<i32>} : memref<80x128xf32, #tpu.memory_space<vmem>>, vector<1x16xf32>,
      %parallel_loop3A_435 = vector.shape_cast %parallel_loop3A_434 : vector<1x16xf32> to vector<16xf32>
      %parallel_loop3A_436 = vector.shape_cast %parallel_loop3A_431 : vector<16xf32> to vector<1x16xf32>
      tpu.vector_store %arg11[%parallel_loop3A_432, %parallel_loop3A_433], %parallel_loop3A_436 {strides = array<i32>} : memref<80x128xf32, #tpu.memory_space<vmem>>, vector<1x16xf32>,
      %parallel_loop3A_437 = arith.index_cast %parallel_loop3A_317 : i32 to index
      %parallel_loop3A_438 = arith.constant 112 : index
      %parallel_loop3A_439 = tpu.vector_load %arg11[%parallel_loop3A_437, %parallel_loop3A_438] {strides = array<i32>} : memref<80x128xf32, #tpu.memory_space<vmem>>, vector<1x16xf32>,
      %parallel_loop3A_440 = vector.shape_cast %parallel_loop3A_439 : vector<1x16xf32> to vector<16xf32>
      %parallel_loop3A_441 = arith.index_cast %parallel_loop3A_317 : i32 to index
      %parallel_loop3A_442 = arith.constant 112 : index
      %parallel_loop3A_443 = tpu.vector_load %arg13[%parallel_loop3A_441, %parallel_loop3A_442] {strides = array<i32>} : memref<80x128xf32, #tpu.memory_space<vmem>>, vector<1x16xf32>,
      %parallel_loop3A_444 = vector.shape_cast %parallel_loop3A_443 : vector<1x16xf32> to vector<16xf32>
      %parallel_loop3A_445 = arith.addf %parallel_loop3A_440, %parallel_loop3A_444 : vector<16xf32>
      %parallel_loop3A_446 = arith.constant 0.000000e+00 : f32
      %parallel_loop3A_447 = vector.broadcast %parallel_loop3A_446 : f32 to vector<16xf32>
      %parallel_loop3A_448 = arith.maximumf %parallel_loop3A_445, %parallel_loop3A_447 : vector<16xf32>
      %parallel_loop3A_449 = arith.index_cast %parallel_loop3A_317 : i32 to index
      %parallel_loop3A_450 = arith.constant 112 : index
      %parallel_loop3A_451 = tpu.vector_load %arg11[%parallel_loop3A_449, %parallel_loop3A_450] {strides = array<i32>} : memref<80x128xf32, #tpu.memory_space<vmem>>, vector<1x16xf32>,
      %parallel_loop3A_452 = vector.shape_cast %parallel_loop3A_451 : vector<1x16xf32> to vector<16xf32>
      %parallel_loop3A_453 = vector.shape_cast %parallel_loop3A_448 : vector<16xf32> to vector<1x16xf32>
      tpu.vector_store %arg11[%parallel_loop3A_449, %parallel_loop3A_450], %parallel_loop3A_453 {strides = array<i32>} : memref<80x128xf32, #tpu.memory_space<vmem>>, vector<1x16xf32>,
    } {sc.loop_unroll_factor = 1 : i64, sc.parallel_access}
    %dma_start3A_211 = arith.constant 0 : i32
    %dma_start3A_212 = arith.constant 0 : i32
    %dma_start3A_213 = tpu.memref_slice %arg17[%dma_start3A_211, %dma_start3A_212] : memref<10240x128xf32, #tpu.memory_space<vmem_shared>> -> memref<10240x128xf32, #tpu.memory_space<vmem_shared>>
    tpu.enqueue_indirect_dma source(%arg11 : memref<80x128xf32, #tpu.memory_space<vmem>>) target(%dma_start3A_213 : memref<10240x128xf32, #tpu.memory_space<vmem_shared>>) offsets(%arg9 : memref<80xi32, #tpu.memory_space<vmem>>) semaphore(%arg23 : memref<!tpu.dma_semaphore, #tpu.memory_space<semaphore_mem>>) {add = true}
    %dma_start3A_214 = arith.constant 0 : i32
    %dma_start3A_215 = tpu.memref_slice %arg18[%dma_start3A_214] : memref<10240xf32, #tpu.memory_space<vmem_shared>> -> memref<10240xf32, #tpu.memory_space<vmem_shared>>
    tpu.enqueue_indirect_dma source(%arg15 : memref<80xf32, #tpu.memory_space<vmem>>) target(%dma_start3A_215 : memref<10240xf32, #tpu.memory_space<vmem_shared>>) offsets(%arg9 : memref<80xi32, #tpu.memory_space<vmem>>) semaphore(%arg23 : memref<!tpu.dma_semaphore, #tpu.memory_space<semaphore_mem>>) {add = true}
    %dma_wait3A_216 = arith.constant 0 : i32
    %dma_wait3A_217 = arith.constant 0 : i32
    %dma_wait3A_218 = tpu.memref_slice %arg17[%dma_wait3A_216, %dma_wait3A_217] : memref<10240x128xf32, #tpu.memory_space<vmem_shared>> -> memref<10240x128xf32, #tpu.memory_space<vmem_shared>>
    tpu.wait_indirect_dma semaphore(%arg23 : memref<!tpu.dma_semaphore, #tpu.memory_space<semaphore_mem>>) src(%arg11 : memref<80x128xf32, #tpu.memory_space<vmem>>) dst(%dma_wait3A_218 : memref<10240x128xf32, #tpu.memory_space<vmem_shared>>)
    %dma_wait3A_219 = arith.constant 0 : i32
    %dma_wait3A_220 = tpu.memref_slice %arg18[%dma_wait3A_219] : memref<10240xf32, #tpu.memory_space<vmem_shared>> -> memref<10240xf32, #tpu.memory_space<vmem_shared>>
    tpu.wait_indirect_dma semaphore(%arg23 : memref<!tpu.dma_semaphore, #tpu.memory_space<semaphore_mem>>) src(%arg15 : memref<80xf32, #tpu.memory_space<vmem>>) dst(%dma_wait3A_220 : memref<10240xf32, #tpu.memory_space<vmem_shared>>)
    %barrier3A_221 = arith.constant 0 : index
    tpu.barrier barrier_id(%barrier3A_221)
    %mul3A_222 = arith.constant 640 : i32
    %mul3A_223 = arith.muli %arg1, %mul3A_222 : i32
    %add3A_224 = arith.constant 0 : i32
    %add3A_225 = arith.addi %mul3A_223, %add3A_224 : i32
    %dma_start3A_226 = arith.constant 0 : i32
    %dma_start3A_227 = tpu.memref_slice %arg5[%arg0, %add3A_225, %dma_start3A_226] : memref<2x10240x128xf32, #tpu.memory_space<hbm>> -> memref<1x128x128xf32, #tpu.memory_space<hbm>>
    %dma_start3A_228 = tpu.memref_squeeze %dma_start3A_227 : memref<1x128x128xf32, #tpu.memory_space<hbm>> -> memref<128x128xf32, #tpu.memory_space<hbm>>
    %dma_start3A_229 = arith.constant 0 : i32
    %dma_start3A_230 = tpu.memref_slice %arg17[%add3A_225, %dma_start3A_229] : memref<10240x128xf32, #tpu.memory_space<vmem_shared>> -> memref<128x128xf32, #tpu.memory_space<vmem_shared>>
    tpu.enqueue_dma source(%dma_start3A_230 : memref<128x128xf32, #tpu.memory_space<vmem_shared>>) target(%dma_start3A_228 : memref<128x128xf32, #tpu.memory_space<hbm>>) target_semaphore(%arg21 : memref<!tpu.dma_semaphore, #tpu.memory_space<semaphore_mem>>)
    %mul3A_231 = arith.constant 640 : i32
    %mul3A_232 = arith.muli %arg1, %mul3A_231 : i32
    %add3A_233 = arith.constant 128 : i32
    %add3A_234 = arith.addi %mul3A_232, %add3A_233 : i32
    %dma_start3A_235 = arith.constant 0 : i32
    %dma_start3A_236 = tpu.memref_slice %arg5[%arg0, %add3A_234, %dma_start3A_235] : memref<2x10240x128xf32, #tpu.memory_space<hbm>> -> memref<1x128x128xf32, #tpu.memory_space<hbm>>
    %dma_start3A_237 = tpu.memref_squeeze %dma_start3A_236 : memref<1x128x128xf32, #tpu.memory_space<hbm>> -> memref<128x128xf32, #tpu.memory_space<hbm>>
    %dma_start3A_238 = arith.constant 0 : i32
    %dma_start3A_239 = tpu.memref_slice %arg17[%add3A_234, %dma_start3A_238] : memref<10240x128xf32, #tpu.memory_space<vmem_shared>> -> memref<128x128xf32, #tpu.memory_space<vmem_shared>>
    tpu.enqueue_dma source(%dma_start3A_239 : memref<128x128xf32, #tpu.memory_space<vmem_shared>>) target(%dma_start3A_237 : memref<128x128xf32, #tpu.memory_space<hbm>>) target_semaphore(%arg21 : memref<!tpu.dma_semaphore, #tpu.memory_space<semaphore_mem>>)
    %mul3A_240 = arith.constant 640 : i32
    %mul3A_241 = arith.muli %arg1, %mul3A_240 : i32
    %add3A_242 = arith.constant 256 : i32
    %add3A_243 = arith.addi %mul3A_241, %add3A_242 : i32
    %dma_start3A_244 = arith.constant 0 : i32
    %dma_start3A_245 = tpu.memref_slice %arg5[%arg0, %add3A_243, %dma_start3A_244] : memref<2x10240x128xf32, #tpu.memory_space<hbm>> -> memref<1x128x128xf32, #tpu.memory_space<hbm>>
    %dma_start3A_246 = tpu.memref_squeeze %dma_start3A_245 : memref<1x128x128xf32, #tpu.memory_space<hbm>> -> memref<128x128xf32, #tpu.memory_space<hbm>>
    %dma_start3A_247 = arith.constant 0 : i32
    %dma_start3A_248 = tpu.memref_slice %arg17[%add3A_243, %dma_start3A_247] : memref<10240x128xf32, #tpu.memory_space<vmem_shared>> -> memref<128x128xf32, #tpu.memory_space<vmem_shared>>
    tpu.enqueue_dma source(%dma_start3A_248 : memref<128x128xf32, #tpu.memory_space<vmem_shared>>) target(%dma_start3A_246 : memref<128x128xf32, #tpu.memory_space<hbm>>) target_semaphore(%arg21 : memref<!tpu.dma_semaphore, #tpu.memory_space<semaphore_mem>>)
    %mul3A_249 = arith.constant 640 : i32
    %mul3A_250 = arith.muli %arg1, %mul3A_249 : i32
    %add3A_251 = arith.constant 384 : i32
    %add3A_252 = arith.addi %mul3A_250, %add3A_251 : i32
    %dma_start3A_253 = arith.constant 0 : i32
    %dma_start3A_254 = tpu.memref_slice %arg5[%arg0, %add3A_252, %dma_start3A_253] : memref<2x10240x128xf32, #tpu.memory_space<hbm>> -> memref<1x128x128xf32, #tpu.memory_space<hbm>>
    %dma_start3A_255 = tpu.memref_squeeze %dma_start3A_254 : memref<1x128x128xf32, #tpu.memory_space<hbm>> -> memref<128x128xf32, #tpu.memory_space<hbm>>
    %dma_start3A_256 = arith.constant 0 : i32
    %dma_start3A_257 = tpu.memref_slice %arg17[%add3A_252, %dma_start3A_256] : memref<10240x128xf32, #tpu.memory_space<vmem_shared>> -> memref<128x128xf32, #tpu.memory_space<vmem_shared>>
    tpu.enqueue_dma source(%dma_start3A_257 : memref<128x128xf32, #tpu.memory_space<vmem_shared>>) target(%dma_start3A_255 : memref<128x128xf32, #tpu.memory_space<hbm>>) target_semaphore(%arg21 : memref<!tpu.dma_semaphore, #tpu.memory_space<semaphore_mem>>)
    %mul3A_258 = arith.constant 640 : i32
    %mul3A_259 = arith.muli %arg1, %mul3A_258 : i32
    %add3A_260 = arith.constant 512 : i32
    %add3A_261 = arith.addi %mul3A_259, %add3A_260 : i32
    %dma_start3A_262 = arith.constant 0 : i32
    %dma_start3A_263 = tpu.memref_slice %arg5[%arg0, %add3A_261, %dma_start3A_262] : memref<2x10240x128xf32, #tpu.memory_space<hbm>> -> memref<1x128x128xf32, #tpu.memory_space<hbm>>
    %dma_start3A_264 = tpu.memref_squeeze %dma_start3A_263 : memref<1x128x128xf32, #tpu.memory_space<hbm>> -> memref<128x128xf32, #tpu.memory_space<hbm>>
    %dma_start3A_265 = arith.constant 0 : i32
    %dma_start3A_266 = tpu.memref_slice %arg17[%add3A_261, %dma_start3A_265] : memref<10240x128xf32, #tpu.memory_space<vmem_shared>> -> memref<128x128xf32, #tpu.memory_space<vmem_shared>>
    tpu.enqueue_dma source(%dma_start3A_266 : memref<128x128xf32, #tpu.memory_space<vmem_shared>>) target(%dma_start3A_264 : memref<128x128xf32, #tpu.memory_space<hbm>>) target_semaphore(%arg21 : memref<!tpu.dma_semaphore, #tpu.memory_space<semaphore_mem>>)
    %mul3A_267 = arith.constant 640 : i32
    %mul3A_268 = arith.muli %arg1, %mul3A_267 : i32
    %add3A_269 = arith.constant 0 : i32
    %add3A_270 = arith.addi %mul3A_268, %add3A_269 : i32
    %dma_wait3A_271 = arith.constant 0 : i32
    %dma_wait3A_272 = tpu.memref_slice %arg5[%arg0, %add3A_270, %dma_wait3A_271] : memref<2x10240x128xf32, #tpu.memory_space<hbm>> -> memref<1x128x128xf32, #tpu.memory_space<hbm>>
    %dma_wait3A_273 = tpu.memref_squeeze %dma_wait3A_272 : memref<1x128x128xf32, #tpu.memory_space<hbm>> -> memref<128x128xf32, #tpu.memory_space<hbm>>
    %dma_wait3A_274 = arith.constant 0 : i32
    %dma_wait3A_275 = tpu.memref_slice %arg17[%add3A_270, %dma_wait3A_274] : memref<10240x128xf32, #tpu.memory_space<vmem_shared>> -> memref<128x128xf32, #tpu.memory_space<vmem_shared>>
    tpu.wait_dma2 semaphore(%arg21 : memref<!tpu.dma_semaphore, #tpu.memory_space<semaphore_mem>>) src(%dma_wait3A_275 : memref<128x128xf32, #tpu.memory_space<vmem_shared>>) dst(%dma_wait3A_273 : memref<128x128xf32, #tpu.memory_space<hbm>>)
    %mul3A_276 = arith.constant 640 : i32
    %mul3A_277 = arith.muli %arg1, %mul3A_276 : i32
    %add3A_278 = arith.constant 128 : i32
    %add3A_279 = arith.addi %mul3A_277, %add3A_278 : i32
    %dma_wait3A_280 = arith.constant 0 : i32
    %dma_wait3A_281 = tpu.memref_slice %arg5[%arg0, %add3A_279, %dma_wait3A_280] : memref<2x10240x128xf32, #tpu.memory_space<hbm>> -> memref<1x128x128xf32, #tpu.memory_space<hbm>>
    %dma_wait3A_282 = tpu.memref_squeeze %dma_wait3A_281 : memref<1x128x128xf32, #tpu.memory_space<hbm>> -> memref<128x128xf32, #tpu.memory_space<hbm>>
    %dma_wait3A_283 = arith.constant 0 : i32
    %dma_wait3A_284 = tpu.memref_slice %arg17[%add3A_279, %dma_wait3A_283] : memref<10240x128xf32, #tpu.memory_space<vmem_shared>> -> memref<128x128xf32, #tpu.memory_space<vmem_shared>>
    tpu.wait_dma2 semaphore(%arg21 : memref<!tpu.dma_semaphore, #tpu.memory_space<semaphore_mem>>) src(%dma_wait3A_284 : memref<128x128xf32, #tpu.memory_space<vmem_shared>>) dst(%dma_wait3A_282 : memref<128x128xf32, #tpu.memory_space<hbm>>)
    %mul3A_285 = arith.constant 640 : i32
    %mul3A_286 = arith.muli %arg1, %mul3A_285 : i32
    %add3A_287 = arith.constant 256 : i32
    %add3A_288 = arith.addi %mul3A_286, %add3A_287 : i32
    %dma_wait3A_289 = arith.constant 0 : i32
    %dma_wait3A_290 = tpu.memref_slice %arg5[%arg0, %add3A_288, %dma_wait3A_289] : memref<2x10240x128xf32, #tpu.memory_space<hbm>> -> memref<1x128x128xf32, #tpu.memory_space<hbm>>
    %dma_wait3A_291 = tpu.memref_squeeze %dma_wait3A_290 : memref<1x128x128xf32, #tpu.memory_space<hbm>> -> memref<128x128xf32, #tpu.memory_space<hbm>>
    %dma_wait3A_292 = arith.constant 0 : i32
    %dma_wait3A_293 = tpu.memref_slice %arg17[%add3A_288, %dma_wait3A_292] : memref<10240x128xf32, #tpu.memory_space<vmem_shared>> -> memref<128x128xf32, #tpu.memory_space<vmem_shared>>
    tpu.wait_dma2 semaphore(%arg21 : memref<!tpu.dma_semaphore, #tpu.memory_space<semaphore_mem>>) src(%dma_wait3A_293 : memref<128x128xf32, #tpu.memory_space<vmem_shared>>) dst(%dma_wait3A_291 : memref<128x128xf32, #tpu.memory_space<hbm>>)
    %mul3A_294 = arith.constant 640 : i32
    %mul3A_295 = arith.muli %arg1, %mul3A_294 : i32
    %add3A_296 = arith.constant 384 : i32
    %add3A_297 = arith.addi %mul3A_295, %add3A_296 : i32
    %dma_wait3A_298 = arith.constant 0 : i32
    %dma_wait3A_299 = tpu.memref_slice %arg5[%arg0, %add3A_297, %dma_wait3A_298] : memref<2x10240x128xf32, #tpu.memory_space<hbm>> -> memref<1x128x128xf32, #tpu.memory_space<hbm>>
    %dma_wait3A_300 = tpu.memref_squeeze %dma_wait3A_299 : memref<1x128x128xf32, #tpu.memory_space<hbm>> -> memref<128x128xf32, #tpu.memory_space<hbm>>
    %dma_wait3A_301 = arith.constant 0 : i32
    %dma_wait3A_302 = tpu.memref_slice %arg17[%add3A_297, %dma_wait3A_301] : memref<10240x128xf32, #tpu.memory_space<vmem_shared>> -> memref<128x128xf32, #tpu.memory_space<vmem_shared>>
    tpu.wait_dma2 semaphore(%arg21 : memref<!tpu.dma_semaphore, #tpu.memory_space<semaphore_mem>>) src(%dma_wait3A_302 : memref<128x128xf32, #tpu.memory_space<vmem_shared>>) dst(%dma_wait3A_300 : memref<128x128xf32, #tpu.memory_space<hbm>>)
    %mul3A_303 = arith.constant 640 : i32
    %mul3A_304 = arith.muli %arg1, %mul3A_303 : i32
    %add3A_305 = arith.constant 512 : i32
    %add3A_306 = arith.addi %mul3A_304, %add3A_305 : i32
    %dma_wait3A_307 = arith.constant 0 : i32
    %dma_wait3A_308 = tpu.memref_slice %arg5[%arg0, %add3A_306, %dma_wait3A_307] : memref<2x10240x128xf32, #tpu.memory_space<hbm>> -> memref<1x128x128xf32, #tpu.memory_space<hbm>>
    %dma_wait3A_309 = tpu.memref_squeeze %dma_wait3A_308 : memref<1x128x128xf32, #tpu.memory_space<hbm>> -> memref<128x128xf32, #tpu.memory_space<hbm>>
    %dma_wait3A_310 = arith.constant 0 : i32
    %dma_wait3A_311 = tpu.memref_slice %arg17[%add3A_306, %dma_wait3A_310] : memref<10240x128xf32, #tpu.memory_space<vmem_shared>> -> memref<128x128xf32, #tpu.memory_space<vmem_shared>>
    tpu.wait_dma2 semaphore(%arg21 : memref<!tpu.dma_semaphore, #tpu.memory_space<semaphore_mem>>) src(%dma_wait3A_311 : memref<128x128xf32, #tpu.memory_space<vmem_shared>>) dst(%dma_wait3A_309 : memref<128x128xf32, #tpu.memory_space<hbm>>)
    %eq3A_312 = arith.constant 0 : i32
    %eq3A_313 = arith.cmpi eq, %arg1, %eq3A_312 : i32
    %convert_element_type3A_314 = arith.extui %eq3A_313 : i1 to i32
    %cond3A_315 = arith.constant 0 : i32
    %cond3A_316 = arith.cmpi ne, %convert_element_type3A_314, %cond3A_315 : i32
    scf.if %cond3A_316 {
      %mul3A_317 = arith.constant 10240 : i32
      %mul3A_318 = arith.muli %arg0, %mul3A_317 : i32
      %add3A_319 = arith.constant 0 : i32
      %add3A_320 = arith.addi %mul3A_318, %add3A_319 : i32
      "tpu.region"() ({
        %run_scoped3A = tpu.sem_alloc : memref<!tpu.dma_semaphore, #tpu.memory_space<semaphore_mem>>
        %dma_start3A_337 = tpu.memref_slice %arg6[%add3A_320] : memref<20480xf32, #tpu.memory_space<hbm>> -> memref<2048xf32, #tpu.memory_space<hbm>>
        %dma_start3A_338 = arith.constant 0 : i32
        %dma_start3A_339 = tpu.memref_slice %arg18[%dma_start3A_338] : memref<10240xf32, #tpu.memory_space<vmem_shared>> -> memref<2048xf32, #tpu.memory_space<vmem_shared>>
        tpu.enqueue_dma source(%dma_start3A_339 : memref<2048xf32, #tpu.memory_space<vmem_shared>>) target(%dma_start3A_337 : memref<2048xf32, #tpu.memory_space<hbm>>) target_semaphore(%run_scoped3A : memref<!tpu.dma_semaphore, #tpu.memory_space<semaphore_mem>>)
        %dma_wait3A_340 = tpu.memref_slice %arg6[%add3A_320] : memref<20480xf32, #tpu.memory_space<hbm>> -> memref<2048xf32, #tpu.memory_space<hbm>>
        %dma_wait3A_341 = arith.constant 0 : i32
        %dma_wait3A_342 = tpu.memref_slice %arg18[%dma_wait3A_341] : memref<10240xf32, #tpu.memory_space<vmem_shared>> -> memref<2048xf32, #tpu.memory_space<vmem_shared>>
        tpu.wait_dma2 semaphore(%run_scoped3A : memref<!tpu.dma_semaphore, #tpu.memory_space<semaphore_mem>>) src(%dma_wait3A_342 : memref<2048xf32, #tpu.memory_space<vmem_shared>>) dst(%dma_wait3A_340 : memref<2048xf32, #tpu.memory_space<hbm>>)
        tpu.yield
      }) : () -> ()
      %mul3A_321 = arith.constant 10240 : i32
      %mul3A_322 = arith.muli %arg0, %mul3A_321 : i32
      %add3A_323 = arith.constant 2048 : i32
      %add3A_324 = arith.addi %mul3A_322, %add3A_323 : i32
      "tpu.region"() ({
        %run_scoped3A = tpu.sem_alloc : memref<!tpu.dma_semaphore, #tpu.memory_space<semaphore_mem>>
        %dma_start3A_337 = tpu.memref_slice %arg6[%add3A_324] : memref<20480xf32, #tpu.memory_space<hbm>> -> memref<2048xf32, #tpu.memory_space<hbm>>
        %dma_start3A_338 = arith.constant 2048 : i32
        %dma_start3A_339 = tpu.memref_slice %arg18[%dma_start3A_338] : memref<10240xf32, #tpu.memory_space<vmem_shared>> -> memref<2048xf32, #tpu.memory_space<vmem_shared>>
        tpu.enqueue_dma source(%dma_start3A_339 : memref<2048xf32, #tpu.memory_space<vmem_shared>>) target(%dma_start3A_337 : memref<2048xf32, #tpu.memory_space<hbm>>) target_semaphore(%run_scoped3A : memref<!tpu.dma_semaphore, #tpu.memory_space<semaphore_mem>>)
        %dma_wait3A_340 = tpu.memref_slice %arg6[%add3A_324] : memref<20480xf32, #tpu.memory_space<hbm>> -> memref<2048xf32, #tpu.memory_space<hbm>>
        %dma_wait3A_341 = arith.constant 2048 : i32
        %dma_wait3A_342 = tpu.memref_slice %arg18[%dma_wait3A_341] : memref<10240xf32, #tpu.memory_space<vmem_shared>> -> memref<2048xf32, #tpu.memory_space<vmem_shared>>
        tpu.wait_dma2 semaphore(%run_scoped3A : memref<!tpu.dma_semaphore, #tpu.memory_space<semaphore_mem>>) src(%dma_wait3A_342 : memref<2048xf32, #tpu.memory_space<vmem_shared>>) dst(%dma_wait3A_340 : memref<2048xf32, #tpu.memory_space<hbm>>)
        tpu.yield
      }) : () -> ()
      %mul3A_325 = arith.constant 10240 : i32
      %mul3A_326 = arith.muli %arg0, %mul3A_325 : i32
      %add3A_327 = arith.constant 4096 : i32
      %add3A_328 = arith.addi %mul3A_326, %add3A_327 : i32
      "tpu.region"() ({
        %run_scoped3A = tpu.sem_alloc : memref<!tpu.dma_semaphore, #tpu.memory_space<semaphore_mem>>
        %dma_start3A_337 = tpu.memref_slice %arg6[%add3A_328] : memref<20480xf32, #tpu.memory_space<hbm>> -> memref<2048xf32, #tpu.memory_space<hbm>>
        %dma_start3A_338 = arith.constant 4096 : i32
        %dma_start3A_339 = tpu.memref_slice %arg18[%dma_start3A_338] : memref<10240xf32, #tpu.memory_space<vmem_shared>> -> memref<2048xf32, #tpu.memory_space<vmem_shared>>
        tpu.enqueue_dma source(%dma_start3A_339 : memref<2048xf32, #tpu.memory_space<vmem_shared>>) target(%dma_start3A_337 : memref<2048xf32, #tpu.memory_space<hbm>>) target_semaphore(%run_scoped3A : memref<!tpu.dma_semaphore, #tpu.memory_space<semaphore_mem>>)
        %dma_wait3A_340 = tpu.memref_slice %arg6[%add3A_328] : memref<20480xf32, #tpu.memory_space<hbm>> -> memref<2048xf32, #tpu.memory_space<hbm>>
        %dma_wait3A_341 = arith.constant 4096 : i32
        %dma_wait3A_342 = tpu.memref_slice %arg18[%dma_wait3A_341] : memref<10240xf32, #tpu.memory_space<vmem_shared>> -> memref<2048xf32, #tpu.memory_space<vmem_shared>>
        tpu.wait_dma2 semaphore(%run_scoped3A : memref<!tpu.dma_semaphore, #tpu.memory_space<semaphore_mem>>) src(%dma_wait3A_342 : memref<2048xf32, #tpu.memory_space<vmem_shared>>) dst(%dma_wait3A_340 : memref<2048xf32, #tpu.memory_space<hbm>>)
        tpu.yield
      }) : () -> ()
      %mul3A_329 = arith.constant 10240 : i32
      %mul3A_330 = arith.muli %arg0, %mul3A_329 : i32
      %add3A_331 = arith.constant 6144 : i32
      %add3A_332 = arith.addi %mul3A_330, %add3A_331 : i32
      "tpu.region"() ({
        %run_scoped3A = tpu.sem_alloc : memref<!tpu.dma_semaphore, #tpu.memory_space<semaphore_mem>>
        %dma_start3A_337 = tpu.memref_slice %arg6[%add3A_332] : memref<20480xf32, #tpu.memory_space<hbm>> -> memref<2048xf32, #tpu.memory_space<hbm>>
        %dma_start3A_338 = arith.constant 6144 : i32
        %dma_start3A_339 = tpu.memref_slice %arg18[%dma_start3A_338] : memref<10240xf32, #tpu.memory_space<vmem_shared>> -> memref<2048xf32, #tpu.memory_space<vmem_shared>>
        tpu.enqueue_dma source(%dma_start3A_339 : memref<2048xf32, #tpu.memory_space<vmem_shared>>) target(%dma_start3A_337 : memref<2048xf32, #tpu.memory_space<hbm>>) target_semaphore(%run_scoped3A : memref<!tpu.dma_semaphore, #tpu.memory_space<semaphore_mem>>)
        %dma_wait3A_340 = tpu.memref_slice %arg6[%add3A_332] : memref<20480xf32, #tpu.memory_space<hbm>> -> memref<2048xf32, #tpu.memory_space<hbm>>
        %dma_wait3A_341 = arith.constant 6144 : i32
        %dma_wait3A_342 = tpu.memref_slice %arg18[%dma_wait3A_341] : memref<10240xf32, #tpu.memory_space<vmem_shared>> -> memref<2048xf32, #tpu.memory_space<vmem_shared>>
        tpu.wait_dma2 semaphore(%run_scoped3A : memref<!tpu.dma_semaphore, #tpu.memory_space<semaphore_mem>>) src(%dma_wait3A_342 : memref<2048xf32, #tpu.memory_space<vmem_shared>>) dst(%dma_wait3A_340 : memref<2048xf32, #tpu.memory_space<hbm>>)
        tpu.yield
      }) : () -> ()
      %mul3A_333 = arith.constant 10240 : i32
      %mul3A_334 = arith.muli %arg0, %mul3A_333 : i32
      %add3A_335 = arith.constant 8192 : i32
      %add3A_336 = arith.addi %mul3A_334, %add3A_335 : i32
      "tpu.region"() ({
        %run_scoped3A = tpu.sem_alloc : memref<!tpu.dma_semaphore, #tpu.memory_space<semaphore_mem>>
        %dma_start3A_337 = tpu.memref_slice %arg6[%add3A_336] : memref<20480xf32, #tpu.memory_space<hbm>> -> memref<2048xf32, #tpu.memory_space<hbm>>
        %dma_start3A_338 = arith.constant 8192 : i32
        %dma_start3A_339 = tpu.memref_slice %arg18[%dma_start3A_338] : memref<10240xf32, #tpu.memory_space<vmem_shared>> -> memref<2048xf32, #tpu.memory_space<vmem_shared>>
        tpu.enqueue_dma source(%dma_start3A_339 : memref<2048xf32, #tpu.memory_space<vmem_shared>>) target(%dma_start3A_337 : memref<2048xf32, #tpu.memory_space<hbm>>) target_semaphore(%run_scoped3A : memref<!tpu.dma_semaphore, #tpu.memory_space<semaphore_mem>>)
        %dma_wait3A_340 = tpu.memref_slice %arg6[%add3A_336] : memref<20480xf32, #tpu.memory_space<hbm>> -> memref<2048xf32, #tpu.memory_space<hbm>>
        %dma_wait3A_341 = arith.constant 8192 : i32
        %dma_wait3A_342 = tpu.memref_slice %arg18[%dma_wait3A_341] : memref<10240xf32, #tpu.memory_space<vmem_shared>> -> memref<2048xf32, #tpu.memory_space<vmem_shared>>
        tpu.wait_dma2 semaphore(%run_scoped3A : memref<!tpu.dma_semaphore, #tpu.memory_space<semaphore_mem>>) src(%dma_wait3A_342 : memref<2048xf32, #tpu.memory_space<vmem_shared>>) dst(%dma_wait3A_340 : memref<2048xf32, #tpu.memory_space<hbm>>)
        tpu.yield
      }) : () -> ()
    } else {
    }
    return
  }
}

module attributes {stable_mosaic.version = 14 : i64} {
  func.func @_prep_body(%arg0: i32, %arg1: memref<2000x128xf32, #tpu.memory_space<vmem>>, %arg2: memref<128x128xf32, #tpu.memory_space<vmem>>, %arg3: memref<128xf32, #tpu.memory_space<vmem>>, %arg4: memref<16x128xf32, #tpu.memory_space<vmem>>, %arg5: memref<128x128xf32, #tpu.memory_space<vmem>>, %arg6: memref<2000x128xf32, #tpu.memory_space<vmem>>, %arg7: memref<16x128xf32, #tpu.memory_space<vmem>>) attributes {dimension_semantics = [#tpu.dimension_semantics<arbitrary>], iteration_bounds = array<i64: 5>, scalar_prefetch = 0 : i64, scratch_operands = 0 : i64, tpu.core_type = #tpu.core_type<tc>, window_params = [{transform_indices = @transform_0, window_bounds = array<i64: 2000, 128>}, {pipeline_mode = #tpu.pipeline_mode<synchronous>, transform_indices = @transform_1, window_bounds = array<i64: 128, 128>}, {pipeline_mode = #tpu.pipeline_mode<synchronous>, transform_indices = @transform_2, window_bounds = array<i64: 128>}, {pipeline_mode = #tpu.pipeline_mode<synchronous>, transform_indices = @transform_3, window_bounds = array<i64: 16, 128>}, {pipeline_mode = #tpu.pipeline_mode<synchronous>, transform_indices = @transform_4, window_bounds = array<i64: 128, 128>}, {transform_indices = @transform_5, window_bounds = array<i64: 2000, 128>}, {pipeline_mode = #tpu.pipeline_mode<synchronous>, transform_indices = @transform_6, window_bounds = array<i64: 16, 128>}]} {
    %get3A = arith.constant 0 : index
    %get3A_0 = arith.constant 0 : index
    %get3A_1 = vector.load %arg1[%get3A, %get3A_0] : memref<2000x128xf32, #tpu.memory_space<vmem>>, vector<2000x128xf32>
    %get3A_2 = arith.constant 0 : index
    %get3A_3 = arith.constant 0 : index
    %get3A_4 = vector.load %arg2[%get3A_2, %get3A_3] : memref<128x128xf32, #tpu.memory_space<vmem>>, vector<128x128xf32>
    %dot_general3A = arith.constant dense<0.000000e+00> : vector<2000x128xf32>
    %dot_general3A_5 = tpu.matmul %get3A_1, %get3A_4, %dot_general3A {dimension_numbers = #tpu.dot_dimension_numbers<[1], [0], [0], [1], [0, 0, 1, 1], [], []>, transpose_lhs_hint = false} : vector<2000x128xf32>, vector<128x128xf32>, vector<2000x128xf32> -> vector<2000x128xf32>
    %get3A_6 = arith.constant 0 : index
    %get3A_7 = vector.load %arg3[%get3A_6] : memref<128xf32, #tpu.memory_space<vmem>>, vector<128xf32>
    %broadcast_in_dim3A = vector.shape_cast %get3A_7 : vector<128xf32> to vector<1x128xf32>
    %add3A = vector.broadcast %broadcast_in_dim3A : vector<1x128xf32> to vector<2000x128xf32>
    %add3A_8 = arith.addf %dot_general3A_5, %add3A : vector<2000x128xf32>
    %swap3A = arith.constant 0 : index
    %swap3A_9 = arith.constant 0 : index
    %swap3A_10 = vector.load %arg6[%swap3A, %swap3A_9] : memref<2000x128xf32, #tpu.memory_space<vmem>>, vector<2000x128xf32>
    tpu.vector_store %arg6[%swap3A, %swap3A_9], %add3A_8 {strides = array<i32>} : memref<2000x128xf32, #tpu.memory_space<vmem>>, vector<2000x128xf32>,
    %eq3A = arith.constant 0 : i32
    %eq3A_11 = arith.cmpi eq, %arg0, %eq3A : i32
    %convert_element_type3A = arith.extui %eq3A_11 : i1 to i32
    %cond3A = arith.constant 0 : i32
    %cond3A_12 = arith.cmpi ne, %convert_element_type3A, %cond3A : i32
    scf.if %cond3A_12 {
      %get3A_13 = arith.constant 0 : index
      %get3A_14 = arith.constant 0 : index
      %get3A_15 = vector.load %arg4[%get3A_13, %get3A_14] : memref<16x128xf32, #tpu.memory_space<vmem>>, vector<16x128xf32>
      %get3A_16 = arith.constant 0 : index
      %get3A_17 = arith.constant 0 : index
      %get3A_18 = vector.load %arg5[%get3A_16, %get3A_17] : memref<128x128xf32, #tpu.memory_space<vmem>>, vector<128x128xf32>
      %dot_general3A_19 = arith.constant dense<0.000000e+00> : vector<16x128xf32>
      %dot_general3A_20 = tpu.matmul %get3A_15, %get3A_18, %dot_general3A_19 {dimension_numbers = #tpu.dot_dimension_numbers<[1], [0], [0], [1], [0, 0, 1, 1], [], []>, transpose_lhs_hint = false} : vector<16x128xf32>, vector<128x128xf32>, vector<16x128xf32> -> vector<16x128xf32>
      %swap3A_21 = arith.constant 0 : index
      %swap3A_22 = arith.constant 0 : index
      %swap3A_23 = vector.load %arg7[%swap3A_21, %swap3A_22] : memref<16x128xf32, #tpu.memory_space<vmem>>, vector<16x128xf32>
      tpu.vector_store %arg7[%swap3A_21, %swap3A_22], %dot_general3A_20 {strides = array<i32>} : memref<16x128xf32, #tpu.memory_space<vmem>>, vector<16x128xf32>,
    } else {
    }
    return
  }
  func.func @transform_0(%arg0: i32) -> (i32, i32) {
    %c0_i32 = arith.constant 0 : i32
    %c0_i32_0 = arith.constant 0 : i32
    return %arg0, %c0_i32 : i32, i32
  }
  func.func @transform_1(%arg0: i32) -> (i32, i32) {
    %c0_i32 = arith.constant 0 : i32
    %c0_i32_0 = arith.constant 0 : i32
    %c0_i32_1 = arith.constant 0 : i32
    return %c0_i32, %c0_i32_0 : i32, i32
  }
  func.func @transform_2(%arg0: i32) -> i32 {
    %c0_i32 = arith.constant 0 : i32
    %c0_i32_0 = arith.constant 0 : i32
    return %c0_i32 : i32
  }
  func.func @transform_3(%arg0: i32) -> (i32, i32) {
    %c0_i32 = arith.constant 0 : i32
    %c0_i32_0 = arith.constant 0 : i32
    %c0_i32_1 = arith.constant 0 : i32
    return %c0_i32, %c0_i32_0 : i32, i32
  }
  func.func @transform_4(%arg0: i32) -> (i32, i32) {
    %c0_i32 = arith.constant 0 : i32
    %c0_i32_0 = arith.constant 0 : i32
    %c0_i32_1 = arith.constant 0 : i32
    return %c0_i32, %c0_i32_0 : i32, i32
  }
  func.func @transform_5(%arg0: i32) -> (i32, i32) {
    %c0_i32 = arith.constant 0 : i32
    %c0_i32_0 = arith.constant 0 : i32
    return %arg0, %c0_i32 : i32, i32
  }
  func.func @transform_6(%arg0: i32) -> (i32, i32) {
    %c0_i32 = arith.constant 0 : i32
    %c0_i32_0 = arith.constant 0 : i32
    %c0_i32_1 = arith.constant 0 : i32
    return %c0_i32, %c0_i32_0 : i32, i32
  }
}

module attributes {stable_mosaic.version = 14 : i64} {
  func.func @_eh2_body(%arg0: i32, %arg1: memref<4000x16xf32, #tpu.memory_space<vmem>>, %arg2: memref<16x128xf32, #tpu.memory_space<vmem>>, %arg3: memref<4000x128xf32, #tpu.memory_space<vmem>>) attributes {dimension_semantics = [#tpu.dimension_semantics<arbitrary>], iteration_bounds = array<i64: 80>, scalar_prefetch = 0 : i64, scratch_operands = 0 : i64, tpu.core_type = #tpu.core_type<tc>, window_params = [{transform_indices = @transform_0, window_bounds = array<i64: 4000, 16>}, {pipeline_mode = #tpu.pipeline_mode<synchronous>, transform_indices = @transform_1, window_bounds = array<i64: 16, 128>}, {transform_indices = @transform_2, window_bounds = array<i64: 4000, 128>}]} {
    %get3A = arith.constant 0 : index
    %get3A_0 = arith.constant 0 : index
    %get3A_1 = vector.load %arg1[%get3A, %get3A_0] : memref<4000x16xf32, #tpu.memory_space<vmem>>, vector<4000x16xf32>
    %get3A_2 = arith.constant 0 : index
    %get3A_3 = arith.constant 0 : index
    %get3A_4 = vector.load %arg2[%get3A_2, %get3A_3] : memref<16x128xf32, #tpu.memory_space<vmem>>, vector<16x128xf32>
    %dot_general3A = arith.constant dense<0.000000e+00> : vector<4000x128xf32>
    %dot_general3A_5 = tpu.matmul %get3A_1, %get3A_4, %dot_general3A {dimension_numbers = #tpu.dot_dimension_numbers<[1], [0], [0], [1], [0, 0, 1, 1], [], []>, transpose_lhs_hint = false} : vector<4000x16xf32>, vector<16x128xf32>, vector<4000x128xf32> -> vector<4000x128xf32>
    %swap3A = arith.constant 0 : index
    %swap3A_6 = arith.constant 0 : index
    %swap3A_7 = vector.load %arg3[%swap3A, %swap3A_6] : memref<4000x128xf32, #tpu.memory_space<vmem>>, vector<4000x128xf32>
    tpu.vector_store %arg3[%swap3A, %swap3A_6], %dot_general3A_5 {strides = array<i32>} : memref<4000x128xf32, #tpu.memory_space<vmem>>, vector<4000x128xf32>,
    return
  }
  func.func @transform_0(%arg0: i32) -> (i32, i32) {
    %c0_i32 = arith.constant 0 : i32
    %c0_i32_0 = arith.constant 0 : i32
    return %arg0, %c0_i32 : i32, i32
  }
  func.func @transform_1(%arg0: i32) -> (i32, i32) {
    %c0_i32 = arith.constant 0 : i32
    %c0_i32_0 = arith.constant 0 : i32
    %c0_i32_1 = arith.constant 0 : i32
    return %c0_i32, %c0_i32_0 : i32, i32
  }
  func.func @transform_2(%arg0: i32) -> (i32, i32) {
    %c0_i32 = arith.constant 0 : i32
    %c0_i32_0 = arith.constant 0 : i32
    return %arg0, %c0_i32 : i32, i32
  }
}

module attributes {stable_mosaic.version = 14 : i64} {
  func.func @_comb_body(%arg0: i32, %arg1: memref<2x2000x128xf32, #tpu.memory_space<vmem>>, %arg2: memref<2x2000x1xf32, #tpu.memory_space<vmem>>, %arg3: memref<2000x128xf32, #tpu.memory_space<vmem>>, %arg4: memref<128x128xf32, #tpu.memory_space<vmem>>, %arg5: memref<128xf32, #tpu.memory_space<vmem>>, %arg6: memref<2000x128xf32, #tpu.memory_space<vmem>>) attributes {dimension_semantics = [#tpu.dimension_semantics<arbitrary>], iteration_bounds = array<i64: 5>, scalar_prefetch = 0 : i64, scratch_operands = 0 : i64, tpu.core_type = #tpu.core_type<tc>, window_params = [{transform_indices = @transform_0, window_bounds = array<i64: 2, 2000, 128>}, {transform_indices = @transform_1, window_bounds = array<i64: 2, 2000, 1>}, {transform_indices = @transform_2, window_bounds = array<i64: 2000, 128>}, {pipeline_mode = #tpu.pipeline_mode<synchronous>, transform_indices = @transform_3, window_bounds = array<i64: 128, 128>}, {pipeline_mode = #tpu.pipeline_mode<synchronous>, transform_indices = @transform_4, window_bounds = array<i64: 128>}, {transform_indices = @transform_5, window_bounds = array<i64: 2000, 128>}]} {
    %get3A = arith.constant 0 : index
    %get3A_0 = arith.constant 0 : index
    %get3A_1 = arith.constant 0 : index
    %get3A_2 = vector.load %arg1[%get3A, %get3A_0, %get3A_1] : memref<2x2000x128xf32, #tpu.memory_space<vmem>>, vector<1x2000x128xf32>
    %get3A_3 = vector.shape_cast %get3A_2 : vector<1x2000x128xf32> to vector<2000x128xf32>
    %get3A_4 = arith.constant 1 : index
    %get3A_5 = arith.constant 0 : index
    %get3A_6 = arith.constant 0 : index
    %get3A_7 = vector.load %arg1[%get3A_4, %get3A_5, %get3A_6] : memref<2x2000x128xf32, #tpu.memory_space<vmem>>, vector<1x2000x128xf32>
    %get3A_8 = vector.shape_cast %get3A_7 : vector<1x2000x128xf32> to vector<2000x128xf32>
    %add3A = arith.addf %get3A_3, %get3A_8 : vector<2000x128xf32>
    %get3A_9 = arith.constant 0 : index
    %get3A_10 = arith.constant 0 : index
    %get3A_11 = arith.constant 0 : index
    %get3A_12 = vector.load %arg2[%get3A_9, %get3A_10, %get3A_11] : memref<2x2000x1xf32, #tpu.memory_space<vmem>>, vector<1x2000x1xf32>
    %get3A_13 = vector.shape_cast %get3A_12 : vector<1x2000x1xf32> to vector<2000x1xf32>
    %get3A_14 = arith.constant 1 : index
    %get3A_15 = arith.constant 0 : index
    %get3A_16 = arith.constant 0 : index
    %get3A_17 = vector.load %arg2[%get3A_14, %get3A_15, %get3A_16] : memref<2x2000x1xf32, #tpu.memory_space<vmem>>, vector<1x2000x1xf32>
    %get3A_18 = vector.shape_cast %get3A_17 : vector<1x2000x1xf32> to vector<2000x1xf32>
    %add3A_19 = arith.addf %get3A_13, %get3A_18 : vector<2000x1xf32>
    %max3A = arith.constant 1.000000e+00 : f32
    %max3A_20 = vector.broadcast %max3A : f32 to vector<2000x1xf32>
    %max3A_21 = arith.maximumf %add3A_19, %max3A_20 : vector<2000x1xf32>
    %div3A = arith.constant 1.000000e+00 : f32
    %div3A_22 = vector.broadcast %div3A : f32 to vector<2000x1xf32>
    %div3A_23 = arith.divf %div3A_22, %max3A_21 : vector<2000x1xf32>
    %get3A_24 = arith.constant 0 : index
    %get3A_25 = arith.constant 0 : index
    %get3A_26 = vector.load %arg3[%get3A_24, %get3A_25] : memref<2000x128xf32, #tpu.memory_space<vmem>>, vector<2000x128xf32>
    %get3A_27 = arith.constant 0 : index
    %get3A_28 = arith.constant 0 : index
    %get3A_29 = vector.load %arg4[%get3A_27, %get3A_28] : memref<128x128xf32, #tpu.memory_space<vmem>>, vector<128x128xf32>
    %dot_general3A = arith.constant dense<0.000000e+00> : vector<2000x128xf32>
    %dot_general3A_30 = tpu.matmul %get3A_26, %get3A_29, %dot_general3A {dimension_numbers = #tpu.dot_dimension_numbers<[1], [0], [0], [1], [0, 0, 1, 1], [], []>, transpose_lhs_hint = false} : vector<2000x128xf32>, vector<128x128xf32>, vector<2000x128xf32> -> vector<2000x128xf32>
    %get3A_31 = arith.constant 0 : index
    %get3A_32 = vector.load %arg5[%get3A_31] : memref<128xf32, #tpu.memory_space<vmem>>, vector<128xf32>
    %broadcast_in_dim3A = vector.shape_cast %get3A_32 : vector<128xf32> to vector<1x128xf32>
    %add3A_33 = vector.broadcast %broadcast_in_dim3A : vector<1x128xf32> to vector<2000x128xf32>
    %add3A_34 = arith.addf %dot_general3A_30, %add3A_33 : vector<2000x128xf32>
    %mul3A = vector.broadcast %div3A_23 : vector<2000x1xf32> to vector<2000x128xf32>
    %mul3A_35 = arith.mulf %add3A, %mul3A : vector<2000x128xf32>
    %add3A_36 = arith.addf %mul3A_35, %add3A_34 : vector<2000x128xf32>
    %swap3A = arith.constant 0 : index
    %swap3A_37 = arith.constant 0 : index
    %swap3A_38 = vector.load %arg6[%swap3A, %swap3A_37] : memref<2000x128xf32, #tpu.memory_space<vmem>>, vector<2000x128xf32>
    tpu.vector_store %arg6[%swap3A, %swap3A_37], %add3A_36 {strides = array<i32>} : memref<2000x128xf32, #tpu.memory_space<vmem>>, vector<2000x128xf32>,
    return
  }
  func.func @transform_0(%arg0: i32) -> (i32, i32, i32) {
    %c0_i32 = arith.constant 0 : i32
    %c0_i32_0 = arith.constant 0 : i32
    %c0_i32_1 = arith.constant 0 : i32
    return %c0_i32, %arg0, %c0_i32_0 : i32, i32, i32
  }
  func.func @transform_1(%arg0: i32) -> (i32, i32, i32) {
    %c0_i32 = arith.constant 0 : i32
    %c0_i32_0 = arith.constant 0 : i32
    %c0_i32_1 = arith.constant 0 : i32
    return %c0_i32, %arg0, %c0_i32_0 : i32, i32, i32
  }
  func.func @transform_2(%arg0: i32) -> (i32, i32) {
    %c0_i32 = arith.constant 0 : i32
    %c0_i32_0 = arith.constant 0 : i32
    return %arg0, %c0_i32 : i32, i32
  }
  func.func @transform_3(%arg0: i32) -> (i32, i32) {
    %c0_i32 = arith.constant 0 : i32
    %c0_i32_0 = arith.constant 0 : i32
    %c0_i32_1 = arith.constant 0 : i32
    return %c0_i32, %c0_i32_0 : i32, i32
  }
  func.func @transform_4(%arg0: i32) -> i32 {
    %c0_i32 = arith.constant 0 : i32
    %c0_i32_0 = arith.constant 0 : i32
    return %c0_i32 : i32
  }
  func.func @transform_5(%arg0: i32) -> (i32, i32) {
    %c0_i32 = arith.constant 0 : i32
    %c0_i32_0 = arith.constant 0 : i32
    return %arg0, %c0_i32 : i32, i32
  }
}

</mosaic_0001>

<sc_bundles>
// kernel: kernel.6.cloned.1.call-start
scs
__scs_entry_jumppad:
0x0: {  	(pc) =	sbr.rel $0x88, $3  }
0x1: {  	(tag) =	ssettag $0x0;
	lr =	simm.s32 $0x1  }
0x2: {  	[smem:$0x3F99] =	sst lr;
	_ =	strace $0xD0000000  }
0x3: {  	_ = 	snop  }
0x4: {  	_ = 	snop  }
0x5: {  	_ = 	snop  }
0x6: {  	_ = 	snop  }
0x7: {  	_ = 	snop  }
__scs_overlays_trampoline_lowered:
0x8: {  	[smem:$0x3FA8] =	sst s0  }
0x9: {  	[smem:$0x3FA9] =	sst s1  }
0xa: {  	[smem:$0x3FAA] =	sst s2  }
0xb: {  	[smem:$0x3FAB] =	sst s3  }
0xc: {  	[smem:$0x3FAC] =	sst s4  }
0xd: {  	[smem:$0x3FAD] =	sst s5  }
0xe: {  	[smem:$0x3FAE] =	sst s6  }
0xf: {  	[smem:$0x3FAF] =	sst s7  }
0x10: {  	[smem:$0x3FB0] =	sst s8  }
0x11: {  	[smem:$0x3FB1] =	sst s9;
	s0 =	simm.s32 @!p0 $0x0  }
0x12: {  	s1 =	sld [smem:$0x3F97];
	s0 =	simm.s32 @p0 $0x1  }
0x13: {  	[smem:$0x3FB2] =	sst s0;
	s0 =	simm.s32 @!p1 $0x0  }
0x14: {  	s2 =	sld [smem:$0x3F96];
	s0 =	simm.s32 @p1 $0x1  }
0x15: {  	[smem:$0x3FB3] =	sst s0;
	s0 =	simm.s32 @!p2 $0x0  }
0x16: {  	s3 =	sld [smem:$0x3FDB];
	s0 =	simm.s32 @p2 $0x1  }
0x17: {  	s4 =	simm.s32 $0x1BF5;
	[smem:$0x3FB5] =	sst s0  }
0x18: {  	s0 =	sld [smem:$0x3F98];
	_ =	swait.ge [sflag:s4], $0x0  }
0x19: {  	s7 =	sld [smem:$0x3F99]  }
0x1a: {  	s8 =	sadd.s32 $0xFFFFE003, lr  }
0x1b: {  	s9 =	sadd.s32 $0xFFFFFEF7, lr;
	s5 =	simm.s32 $0xFFFFFFFF;
	p2 =	slt.u32 s8, $0xFFFFF086  }
0x1c: {  	p1 =	slt.u32 s9, $0xF7A;
	s5 =	simm.s32 @!p2 $0x0  }
0x1d: {  	s5 =	simm.s32 @p1 $0x1;
	p0 =	seq.s32 s7, s2  }
0x1e: {  	s7 =	smul.u32 @!p0 $0xF7A, s2;
	p2 =	seq.s32 @!p0 s5, $0x0  }
0x1f: {  	s9 =	smul.u32 $0xF7A, s1;
	s8 =	simm.s32 @!p0 $0x1BF5;
	p2 =	por !p2, p0  }
0x20: {  	[sflag:s8] =	ssyncset.s32 @!p0 $0xFFFFF086;
	s6 =	sadd.s32 @!p0 s3, s7;
	s7 =	simm.s32 @!p0 $0x108  }
0x21: {  	s3 =	sadd.s32 s3, s9;
	s6 =	sadd.s32 @!p0 $0x88, s6;
	s7 =	simm.s32 @p2 $0x1082  }
0x22: {  	[simem:s7], [sflag:s8] =	dma.local @!p0 [hbm:s6], $0xF7A  }
0x23: {  	s9 =	sor.u32 $0xD0000000, s2;
	s6 =	simm.s32 $0x108;
	_ =	swait.ge @!p0 [sflag:s8], $0x0  }
0x24: {  	s3 =	sadd.s32 $0x88, s3;
	s6 =	simm.s32 @!p1 $0x1082;
	[sflag:s4] =	ssyncset.s32 $0xFFFFF086  }
0x25: {  	[simem:s6], [sflag:s4] =	dma.local [hbm:s3], $0xF7A  }
0x26: {  	[smem:$0x3F99] =	sst s1;
	(tag) =	ssettag s2;
	_ =	strace s9  }
0x27: {  	s1 =	sld [smem:$0x3FA9]  }
0x28: {  	s2 =	sld [smem:$0x3FAA]  }
0x29: {  	s4 =	sld [smem:$0x3FAC]  }
0x2a: {  	p0 =	seq.s32 s5, $0x0;
	s5 =	sld [smem:$0x3FAD]  }
0x2b: {  	s6 =	sld [smem:$0x3FAE]  }
0x2c: {  	s7 =	sld [smem:$0x3FAF]  }
0x2d: {  	s3 =	simm.s32 $0x108;
	s8 =	sld [smem:$0x3FB0]  }
0x2e: {  	s3 =	simm.s32 @!p0 $0x1082;
	s9 =	sld [smem:$0x3FB1]  }
0x2f: {  	lr =	sadd.s32 s0, s3;
	s0 =	sld [smem:$0x3FA8]  }
0x30: {  	s3 =	sld [smem:$0x3FAB]  }
0x31: {  	[smem:$0x3FB4] =	sst s10  }
0x32: {  	s10 =	sld [smem:$0x3FB2];
	_ =	sdelay $0x3  }
0x33: {  	p0 =	seq.s32 s10, $0x1;
	s10 =	sld [smem:$0x3FB4];
	_ =	sdelay $0x3  }
0x34: {  	[smem:$0x3FB4] =	sst s10  }
0x35: {  	s10 =	sld [smem:$0x3FB3];
	_ =	sdelay $0x3  }
0x36: {  	p1 =	seq.s32 s10, $0x1;
	s10 =	sld [smem:$0x3FB4];
	_ =	sdelay $0x3  }
0x37: {  	[smem:$0x3FB4] =	sst s10  }
0x38: {  	s10 =	sld [smem:$0x3FB5]  }
0x39: {  	_ = 	snop;
	(pc) =	sbr.ind lr, $3  }
0x3a: {  	_ = 	snop  }
0x3b: {  	_ = 	snop  }
0x3c: {  	p2 =	seq.s32 s10, $0x1;
	s10 =	sld [smem:$0x3FB4]  }
0x3d: {  	_ =	shalt  }
0x3e: {  	_ =	shalt  }
0x3f: {  	_ =	shalt  }
0x40: {  	_ =	shalt  }
0x41: {  	_ =	shalt  }
0x42: {  	_ =	shalt  }
0x43: {  	_ =	shalt  }
0x44: {  	_ =	shalt  }
0x45: {  	_ =	shalt  }
0x46: {  	_ =	shalt  }
0x47: {  	_ =	shalt  }
0x48: {  	_ =	shalt  }
0x49: {  	_ =	shalt  }
0x4a: {  	_ =	shalt  }
0x4b: {  	_ =	shalt  }
0x4c: {  	_ =	shalt  }
0x4d: {  	_ =	shalt  }
0x4e: {  	_ =	shalt  }
0x4f: {  	_ =	shalt  }
0x50: {  	_ =	shalt  }
0x51: {  	_ =	shalt  }
0x52: {  	_ =	shalt  }
0x53: {  	_ =	shalt  }
0x54: {  	_ =	shalt  }
0x55: {  	_ =	shalt  }
0x56: {  	_ =	shalt  }
0x57: {  	_ =	shalt  }
0x58: {  	_ =	shalt  }
0x59: {  	_ =	shalt  }
0x5a: {  	_ =	shalt  }
0x5b: {  	_ =	shalt  }
0x5c: {  	_ =	shalt  }
0x5d: {  	_ =	shalt  }
0x5e: {  	_ =	shalt  }
0x5f: {  	_ =	shalt  }
0x60: {  	_ =	shalt  }
0x61: {  	_ =	shalt  }
0x62: {  	_ =	shalt  }
0x63: {  	_ =	shalt  }
0x64: {  	_ =	shalt  }
0x65: {  	_ =	shalt  }
0x66: {  	_ =	shalt  }
0x67: {  	_ =	shalt  }
0x68: {  	_ =	shalt  }
0x69: {  	_ =	shalt  }
0x6a: {  	_ =	shalt  }
0x6b: {  	_ =	shalt  }
0x6c: {  	_ =	shalt  }
0x6d: {  	_ =	shalt  }
0x6e: {  	_ =	shalt  }
0x6f: {  	_ =	shalt  }
0x70: {  	_ =	shalt  }
0x71: {  	_ =	shalt  }
0x72: {  	_ =	shalt  }
0x73: {  	_ =	shalt  }
0x74: {  	_ =	shalt  }
0x75: {  	_ =	shalt  }
0x76: {  	_ =	shalt  }
0x77: {  	_ =	shalt  }
0x78: {  	_ =	shalt  }
0x79: {  	_ =	shalt  }
0x7a: {  	_ =	shalt  }
0x7b: {  	_ =	shalt  }
0x7c: {  	_ =	shalt  }
0x7d: {  	_ =	shalt  }
0x7e: {  	_ =	shalt  }
0x7f: {  	_ =	shalt  }
0x80: {  	_ =	shalt  }
0x81: {  	_ =	shalt  }
0x82: {  	_ =	shalt  }
0x83: {  	_ =	shalt  }
0x84: {  	_ =	shalt  }
0x85: {  	_ =	shalt  }
0x86: {  	_ =	shalt  }
0x87: {  	_ =	shalt  }
.Lfunc_end0:
.L_simem_size_0:
called_computation_lowered:
.L_overlay_start_0:
0x88: {  	s2 =	sld [smem:$0x3FD9]  }
0x89: {  	s3 =	sld [smem:$0x3FFE];
	_ =	sdelay $0x1  }
0x8a: {  	s1 =	srdreg.scid  }
0x8b: {  	s0 =	sand.u32 $0x1, s1  }
0x8c: {  	s17 =	sshll.u32 s0, $0xA;
	s2 =	sadd.s32 s3, s2  }
0x8d: {  	s2 =	sadd.s32 s2, s17  }
0x8e: {  	[smem:$0x3FC0] =	sst s2  }
0x8f: {  	_ = 	snop  }
0x90: {  	s2 =	sld [smem:$0x3FD0];
	(tm) =	ssettm $0x1  }
0x91: {  	s18 =	sld [smem:$0x3FFB];
	_ =	sdelay $0x3  }
0x92: {  	_ =	strace s18  }
0x93: {  	s3 =	sld [smem:$0x3FFC];
	_ =	sdelay $0x3  }
0x94: {  	_ =	strace s3  }
0x95: {  	s3 =	sld [smem:$0x3FFD];
	_ =	sdelay $0x3  }
0x96: {  	_ =	strace s3  }
0x97: {  	_ =	strace $0x8FFFFFFF  }
0x98: {  	s19 =	sld [smem:$0x3FDB];
	_ =	sdelay $0x1  }
0x99: {  	s4 =	simm.s32 $_scs_section_size  }
0x9a: {  	s5 =	simm.s32 $_size__tile_overlayer_lowered;
	s6 =	simm.s32 $_tile_overlayer_lowered  }
0x9b: {  	s22 =	simm.s32 $0x1BFF;
	s21 =	sshll.u32 s6, $0x1;
	s3 =	sadd.s32 s4, s19  }
0x9c: {  	s7 =	simm.s32 $0x0;
	s20 =	sshll.u32 s5, $0x1;
	s5 =	sadd.s32 s21, s3  }
0x9d: {  	[timem:s7], [sflag:s22] =	dma.local [hbm:s5], s20  }
0x9e: {  	_ =	swait.ge [sflag:s22], s20  }
0x9f: {  	s4 =	ssub.s32 $0x0, s20;
	[sflag:s22] =	ssyncset.done $0x0  }
0xa0: {  	[sflag:s22] =	ssyncadd.s32 s4;
	_ =	sdelay $0x1  }
0xa1: {  	s23 =	simm.s32 $0x1B8B  }
0xa2: {  	_ =	swait.ge [sflag:s23], $0x1  }
0xa3: {  	[sflag:s23] =	ssyncset.done $0x0  }
0xa4: {  	s25 =	simm.s32 $0x1B8E;
	s24 =	sld [smem:$0x3FFE];
	[sflag:s23] =	ssyncadd.s32 $0xFFFFFFFF  }
0xa5: {  	s26 =	simm.s32 $execute0_lowered;
	[smem:$0x3FD2] =	sst s25  }
0xa6: {  	s5 =	sshll.u32 s26, $0x1;
	_ =	strace $0x80000046;
	[dreg:$0x1] =	wrdreg $0xFFFFFFFF  }
0xa7: {  	s28 =	simm.s32 $_size_execute0_lowered;
	s3 =	sadd.s32 s3, s5;
	[dreg:$0x0] =	wrdreg $0x0  }
0xa8: {  	s5 =	sshll.u32 s28, $0x1;
	[dreg:$0x2] =	wrdreg s3  }
0xa9: {  	[dreg:$0x3] =	wrdreg s5  }
0xaa: {  	[dreg:$0x4] =	wrdreg $0xC0  }
0xab: {  	_ =	task [dreg:s7], $0x5FFFF  }
0xac: {  	[dreg:$0x1] =	wrdreg $0xFFFFFFFF  }
0xad: {  	[dreg:$0x0] =	wrdreg $0x60  }
0xae: {  	[dreg:$0x2] =	wrdreg s2  }
0xaf: {  	[dreg:$0x3] =	wrdreg s24  }
0xb0: {  	[dreg:$0x4] =	wrdreg $0xAA800  }
0xb1: {  	[dreg:$0x5] =	wrdreg $0x1EA800  }
0xb2: {  	[dreg:$0x6] =	wrdreg $0x9  }
0xb3: {  	_ =	task.clear_ibuf [dreg:s7], $0x7FFFF;
	_ =	strace $0x90000046  }
0xb4: {  	s29 =	simm.s32 $0x9;
	_ =	strace $0x80000048  }
0xb5: {  	_ =	swait.ge [sflag:s29], $0x1  }
0xb6: {  	[sflag:s29] =	ssyncadd.s32 $0xFFFFFFFF  }
0xb7: {  	_ =	strace $0x90000048  }
0xb8: {  	_ =	sfence  }
0xb9: {  	s30 =	sld [smem:$0x0];
	_ =	sdelay $0x2  }
0xba: {  	s31 =	sshll.u32 s1, $0xD;
	s1 =	sshrl.u32 s1, $0x2  }
0xbb: {  	s3 =	sand.u32 $0x4000, s31;
	s1 =	sadd.s32 s1, s30  }
0xbc: {  	s0 =	sor.u32 s3, s0;
	s1 =	sshll.u32 s1, $0x11  }
0xbd: {  	s0 =	sor.u32 s1, s0  }
0xbe: {  	s0 =	sadd.s32 $0x8F2B, s0  }
0xbf: {  	[sflag:s0] =	ssyncadd.remote.s32 $0x1  }
0xc0: {  	_ =	sfence.sel $0xFFFF  }
0xc1: {  	[dreg:$0x0] =	wrdreg $0xFFFFFFFF;
	(pc) =	sbr.abs _section_cstart, $3  }
0xc2: {  	[dreg:$0x1] =	wrdreg $0xFFFFFFFF  }
0xc3: {  	_ =	task.clear_ibuf [dreg:s7], $0x2FFFF;
	_ =	strace $0x9FFFFFFF  }
0xc4: {  	(tm) =	ssettm $0x7FFFFFFF  }
0xc5: {  	_ =	shalt  }
tec
execute0_lowered:
.L_overlay_start_1:
0x0: {  	(tag) =	ssettag $0x1  }
0x1: {  	s1 =	rddreg [dreg:$0x0]  }
0x2: {  	s0 =	rddreg [dreg:$0x1]  }
0x3: {  	s2 =	rddreg [dreg:$0x2]  }
0x4: {  	s3 =	rddreg [dreg:$0x3];
	s4 =	simm.s32 $0x0;
	s5 =	srdreg.scid  }
0x5: {  	s20 =	stileid.u32;
	s7 =	sand.u32 $0x1, s5;
	s5 =	sadd.s32 $0x4F7E00, s0  }
0x6: {  	[smem:$0x7FF] =	sst s4;
	s6 =	sadd.s32 $0x4E4400, s0;
	s10 =	sadd.s32 $0x2E00, s0  }
0x7: {  	s11 =	smul.u32 $0x50000, s20;
	p0 =	sne.s32 s20, $0x0;
	_ =	strace $0x80000047  }
0x8: {  	s8 =	smul.u32 $0x2800, s7;
	s9 =	sshll.u32 s7, $0x4;
	s22 =	ssub.s32 $0x2, s7  }
0x9: {  	s7 =	smul.u32 $0x140000, s7;
	s12 =	sor.u32 s20, s9;
	s23 =	sshrl.u32 s22, $0x1  }
0xa: {  	s11 =	sshrl.u32 s11, $0x2;
	s8 =	sshrl.u32 s8, $0x3;
	s13 =	smul.u32 $0x2710, s12  }
0xb: {  	s14 =	ssub.s32 s22, s23;
	s12 =	smul.u32 $0x27100, s12;
	s0 =	sadd.s32 s8, s0  }
0xc: {  	s8 =	sadd.s32 s11, s2;
	s11 =	smul.u32 $0x14000, s20;
	s20 =	sadd.s32 $0x1000, s3  }
0xd: {  	s15 =	sshrl.u32 s13, $0x3;
	s9 =	sadd.s32 $0x50, s13;
	[dreg:$0x1e] =	wrdreg s8  }
0xe: {  	s12 =	sadd.s32 s5, s12;
	[dreg:$0x1f] =	wrdreg s20;
	s21 =	sadd.s32 s6, s15  }
0xf: {  	s24 =	sshrl.u32 s9, $0x3;
	s16 =	sadd.s32 $0x4000, s11;
	s17 =	sadd.s32 s11, s7  }
0x10: {  	[dreg:$0x7] =	wrdreg s12;
	s22 =	sadd.s32 $0x8000, s11;
	s23 =	sadd.s32 $0xC000, s11  }
0x11: {  	s18 =	sadd.s32 s7, s16;
	s15 =	sadd.s32 s6, s24;
	s25 =	sshrl.u32 s17, $0x3  }
0x12: {  	s24 =	sadd.s32 s7, s22;
	s12 =	sadd.s32 s22, s2;
	[dreg:$0x5] =	wrdreg s21  }
0x13: {  	s22 =	sadd.s32 $0x2600, s0;
	[dreg:$0x6] =	wrdreg s15;
	s26 =	sshrl.u32 s18, $0x3  }
0x14: {  	s18 =	sadd.s32 s10, s25;
	s25 =	sadd.s32 s7, s23;
	[dreg:$0xf] =	wrdreg s22  }
0x15: {  	s15 =	sadd.s32 s23, s2;
	s23 =	sadd.s32 $0x2700, s0;
	[dreg:$0x8] =	wrdreg s18  }
0x16: {  	s17 =	sshrl.u32 s24, $0x3;
	s24 =	smax.u32 s14, $0x1;
	[dreg:$0x10] =	wrdreg s23  }
0x17: {  	s14 =	sadd.s32 $0xA000, s8;
	[dreg:$0x12] =	wrdreg s24  }
0x18: {  	s19 =	sadd.s32 s10, s26;
	[dreg:$0x1a] =	wrdreg s14  }
0x19: {  	s11 =	sadd.s32 $0x10000, s11;
	s17 =	sadd.s32 s10, s17;
	[dreg:$0x9] =	wrdreg s19  }
0x1a: {  	s7 =	sadd.s32 s7, s11;
	s23 =	sadd.s32 $0x1800, s3;
	[dreg:$0xa] =	wrdreg s17  }
0x1b: {  	s18 =	sshrl.u32 s25, $0x3;
	s24 =	sadd.s32 $0x2000, s3;
	[smem:$0x7FA] =	sst s23  }
0x1c: {  	s7 =	sshrl.u32 s7, $0x3;
	s26 =	sadd.s32 s10, s18;
	[smem:$0x7FB] =	sst s24  }
0x1d: {  	s28 =	simm.s32 $0x180;
	s7 =	sadd.s32 s10, s7;
	[dreg:$0xb] =	wrdreg s26  }
0x1e: {  	s10 =	sadd.s32 s16, s2;
	s16 =	sadd.s32 $0x2400, s0;
	[dreg:$0xc] =	wrdreg s7  }
0x1f: {  	s29 =	simm.s32 $0x1;
	s17 =	sadd.s32 $0x2500, s0;
	[dreg:$0xd] =	wrdreg s16  }
0x20: {  	s18 =	sadd.s32 $0xA0, s13;
	s0 =	sadd.s32 $0x2800, s0;
	[dreg:$0xe] =	wrdreg s17  }
0x21: {  	s19 =	sadd.s32 $0xF0, s13;
	s13 =	sadd.s32 $0x7800, s8;
	[dreg:$0x11] =	wrdreg s0  }
0x22: {  	s30 =	simm.s32 $0x50;
	s25 =	sshrl.u32 s10, $0x3;
	[dreg:$0x19] =	wrdreg s13  }
0x23: {  	s31 =	simm.s32 $0x5200;
	s26 =	sshrl.u32 s12, $0x3;
	[dreg:$0x13] =	wrdreg s25  }
0x24: {  	s11 =	sadd.s32 s11, s2;
	s7 =	sshrl.u32 s15, $0x3;
	[dreg:$0x14] =	wrdreg s26  }
0x25: {  	s22 =	sadd.s32 $0x800, s3;
	s10 =	sshrl.u32 s11, $0x3;
	[dreg:$0x15] =	wrdreg s7  }
0x26: {  	s14 =	simm.s32 $0x0;
	s11 =	sadd.s32 $0x2800, s8;
	[dreg:$0x16] =	wrdreg s10  }
0x27: {  	s23 =	simm.s32 $0x200;
	s12 =	sadd.s32 $0x5000, s8;
	[dreg:$0x17] =	wrdreg s11  }
0x28: {  	s24 =	simm.s32 $0x3;
	s15 =	sadd.s32 $0xC800, s8;
	[dreg:$0x18] =	wrdreg s12  }
0x29: {  	s16 =	sadd.s32 $0xF000, s8;
	s17 =	sadd.s32 $0x11800, s8;
	[dreg:$0x1b] =	wrdreg s15  }
0x2a: {  	s0 =	simm.s32 $0x2;
	s13 =	simm.s32 $0x4;
	[dreg:$0x1c] =	wrdreg s16  }
0x2b: {  	[dreg:$0x1d] =	wrdreg s17;
	s25 =	sadd.s32 $0x9C40, s21;
	s26 =	sadd.s32 $0x9C4A, s21  }
0x2c: {  	s7 =	simm.s32 $0x2A00;
	s11 =	simm.s32 $0x7A00;
	s12 =	simm.s32 $0xA200  }
0x2d: {  	s10 =	simm.s32 $0x5;
	s21 =	simm.s32 $0x0;
	[smem:$0x7FC] =	sst s25  }
0x2e: {  	v0 =	vimm.f32 $0.0e+00;
	v1 =	vimm.f32 $1.000000000e+00;
	[smem:$0x7FD] =	sst s26;
	s25 =	simm.s32 $0x100;
	s26 =	simm.s32 $0x80  }
.LBB2_1:
0x2f: {  	s15 =	simm.s32 $0x0;
	s16 =	simm.s32 $0x200  }
.LBB2_2:
0x30: {  	p1 =	sne.s32 s16, $0x9E00;
	[tilespmem:s15+$0x270] =	vst v0  }
0x31: {  	[tilespmem:s15+$0x200] =	vst v0  }
0x32: {  	[tilespmem:s15+$0x210] =	vst v0  }
.Ltmp0:
0x33: {  	[tilespmem:s15+$0x220] =	vst v0;
	(pc) =	sbr.rel @p1 .LBB2_2-.Ltmp0, $4  }
0x34: {  	[tilespmem:s15+$0x230] =	vst v0  }
0x35: {  	[tilespmem:s15+$0x240] =	vst v0  }
0x36: {  	[tilespmem:s15+$0x250] =	vst v0  }
0x37: {  	[tilespmem:s15+$0x260] =	vst v0;
	s15 =	sshra.s32 s16, $0x2;
	s16 =	sadd.s32 $0x200, s16  }
0x38: {  	[tilespmem:s15+$0x270] =	vst v0  }
0x39: {  	[tilespmem:s15+$0x200] =	vst v0  }
0x3a: {  	[tilespmem:s15+$0x210] =	vst v0  }
0x3b: {  	[tilespmem:s15+$0x220] =	vst v0  }
0x3c: {  	[tilespmem:s15+$0x230] =	vst v0  }
0x3d: {  	[tilespmem:s15+$0x240] =	vst v0  }
0x3e: {  	[tilespmem:s15+$0x250] =	vst v0  }
0x3f: {  	[tilespmem:s15+$0x260] =	vst v0;
	s15 =	simm.s32 $0x40;
	s16 =	simm.s32 $0x0  }
.LBB2_4:
0x40: {  	p1 =	sne.s32 s15, $0x1FC0;
	[tilespmem:s16+$0xA280] =	vst v0;
	s16 =	smov.u32 s15;
	s15 =	sadd.s32 $0x40, s15  }
.Ltmp1:
0x41: {  	(pc) =	sbr.rel @p1 .LBB2_4-.Ltmp1, $2  }
0x42: {  	_ =	sdelay $0x2  }
0x43: {  	s16 =	sshra.s32 s16, $0x2  }
0x44: {  	[tilespmem:s16+$0xA280] =	vst v0  }
0x45: {  	[tilespmem:$0xA200] =	vst v1  }
0x46: {  	[tilespmem:$0xA210] =	vst v1  }
0x47: {  	[tilespmem:$0xA220] =	vst v1  }
0x48: {  	[tilespmem:$0xA230] =	vst v1  }
0x49: {  	s8 =	rddreg [dreg:$0x1e];
	[tilespmem:$0xA240] =	vst v1  }
0x4a: {  	[spmem:s8] =	stream.linear.scatter [tilespmem:s23], [sflag:$0x3], $0x2800, $0x38;
	[tilespmem:$0x1ED00] =	vst v63  }
0x4b: {  	s15 =	rddreg [dreg:$0x17]  }
0x4c: {  	[spmem:s15] =	stream.linear.scatter [tilespmem:s23], [sflag:$0x3], $0x2800, $0x38;
	[tilespmem:$0x1ED00] =	vst v63  }
0x4d: {  	s17 =	rddreg [dreg:$0x18]  }
0x4e: {  	[spmem:s17] =	stream.linear.scatter [tilespmem:s23], [sflag:$0x3], $0x2800, $0x38;
	[tilespmem:$0x1ED00] =	vst v63  }
0x4f: {  	s20 =	rddreg [dreg:$0x19]  }
0x50: {  	[spmem:s20] =	stream.linear.scatter [tilespmem:s23], [sflag:$0x3], $0x2800, $0x38;
	[tilespmem:$0x1ED00] =	vst v63  }
0x51: {  	s8 =	rddreg [dreg:$0x1a]  }
0x52: {  	[spmem:s8] =	stream.linear.scatter [tilespmem:s23], [sflag:$0x3], $0x2800, $0x38;
	[tilespmem:$0x1ED00] =	vst v63  }
0x53: {  	s16 =	rddreg [dreg:$0x1b]  }
0x54: {  	[spmem:s16] =	stream.linear.scatter [tilespmem:s23], [sflag:$0x3], $0x2800, $0x38;
	[tilespmem:$0x1ED00] =	vst v63  }
0x55: {  	s17 =	rddreg [dreg:$0x1c]  }
0x56: {  	[spmem:s17] =	stream.linear.scatter [tilespmem:s23], [sflag:$0x3], $0x2800, $0x38;
	[tilespmem:$0x1ED00] =	vst v63  }
0x57: {  	s20 =	rddreg [dreg:$0x1d]  }
0x58: {  	[spmem:s20] =	stream.linear.scatter [tilespmem:s23], [sflag:$0x3], $0x2800, $0x38;
	[tilespmem:$0x1ED00] =	vst v63  }
0x59: {  	_ =	swait.ge [sflag:s24], $0x2800  }
0x5a: {  	[sflag:s24] =	ssyncset.done $0x0  }
0x5b: {  	[sflag:s24] =	ssyncadd.s32 $0xFFFFD800  }
0x5c: {  	_ =	swait.ge [sflag:s24], $0x2800  }
0x5d: {  	[sflag:s24] =	ssyncset.done $0x0  }
0x5e: {  	[sflag:s24] =	ssyncadd.s32 $0xFFFFD800  }
0x5f: {  	_ =	swait.ge [sflag:s24], $0x2800  }
0x60: {  	[sflag:s24] =	ssyncset.done $0x0  }
0x61: {  	[sflag:s24] =	ssyncadd.s32 $0xFFFFD800  }
0x62: {  	_ =	swait.ge [sflag:s24], $0x2800  }
0x63: {  	[sflag:s24] =	ssyncset.done $0x0  }
0x64: {  	[sflag:s24] =	ssyncadd.s32 $0xFFFFD800  }
0x65: {  	_ =	swait.ge [sflag:s24], $0x2800  }
0x66: {  	[sflag:s24] =	ssyncset.done $0x0  }
0x67: {  	[sflag:s24] =	ssyncadd.s32 $0xFFFFD800  }
0x68: {  	_ =	swait.ge [sflag:s24], $0x2800  }
0x69: {  	[sflag:s24] =	ssyncset.done $0x0  }
0x6a: {  	[sflag:s24] =	ssyncadd.s32 $0xFFFFD800  }
0x6b: {  	_ =	swait.ge [sflag:s24], $0x2800  }
0x6c: {  	[sflag:s24] =	ssyncset.done $0x0  }
0x6d: {  	[sflag:s24] =	ssyncadd.s32 $0xFFFFD800  }
0x6e: {  	_ =	swait.ge [sflag:s24], $0x2800  }
0x6f: {  	[sflag:s24] =	ssyncset.done $0x0  }
0x70: {  	s15 =	simm.s32 @!p0 $0xA280;
	s16 =	simm.s32 @!p0 $0x6;
	[sflag:s24] =	ssyncadd.s32 $0xFFFFD800  }
0x71: {  	[spmem:s3] =	stream.linear.scatter @!p0 [tilespmem:s15], [sflag:$0x6], $0x800, $0x38;
	[tilespmem:$0x1ED00] =	vst v63  }
0x72: {  	_ =	swait.ge @!p0 [sflag:s16], $0x800  }
0x73: {  	[sflag:s16] =	ssyncset.done @!p0 $0x0  }
0x74: {  	[sflag:s16] =	ssyncadd.s32 @!p0 $0xFFFFF800  }
0x75: {  	[spmem:s22] =	stream.linear.scatter @!p0 [tilespmem:s15], [sflag:$0x6], $0x800, $0x38;
	[tilespmem:$0x1ED00] =	vst v63  }
0x76: {  	_ =	swait.ge @!p0 [sflag:s16], $0x800  }
0x77: {  	[sflag:s16] =	ssyncset.done @!p0 $0x0  }
0x78: {  	s17 =	rddreg [dreg:$0x1f];
	[sflag:s16] =	ssyncadd.s32 @!p0 $0xFFFFF800  }
0x79: {  	[spmem:s17] =	stream.linear.scatter @!p0 [tilespmem:s15], [sflag:$0x6], $0x800, $0x38;
	[tilespmem:$0x1ED00] =	vst v63  }
0x7a: {  	_ =	swait.ge @!p0 [sflag:s16], $0x800  }
0x7b: {  	s17 =	sld [smem:$0x7FA]  }
0x7c: {  	[sflag:s16] =	ssyncset.done @!p0 $0x0  }
0x7d: {  	[sflag:s16] =	ssyncadd.s32 @!p0 $0xFFFFF800  }
0x7e: {  	[spmem:s17] =	stream.linear.scatter @!p0 [tilespmem:s15], [sflag:$0x6], $0x800, $0x38;
	[tilespmem:$0x1ED00] =	vst v63  }
0x7f: {  	_ =	swait.ge @!p0 [sflag:s16], $0x800  }
0x80: {  	s17 =	sld [smem:$0x7FB]  }
0x81: {  	[sflag:s16] =	ssyncset.done @!p0 $0x0  }
0x82: {  	[sflag:s16] =	ssyncadd.s32 @!p0 $0xFFFFF800  }
0x83: {  	[spmem:s17] =	stream.linear.scatter @!p0 [tilespmem:s15], [sflag:$0x6], $0x800, $0x38;
	[tilespmem:$0x1ED00] =	vst v63  }
0x84: {  	_ =	swait.ge @!p0 [sflag:s16], $0x800  }
0x85: {  	[sflag:s16] =	ssyncset.done @!p0 $0x0  }
0x86: {  	[sflag:s16] =	ssyncadd.s32 @!p0 $0xFFFFF800  }
0x87: {  	[bflag:$0x0] =	sbarrier.arrive $0xFFFF  }
0x88: {  	s8 =	smov.u32 s22;
	s22 =	rddreg [dreg:$0x5]  }
0x89: {  	s16 =	sld [smem:$0x7FC]  }
0x8a: {  	[tilespmem:s21], [sflag:$0x1] =	stream.linear.gather [hbm4b:s22+s21], $0x50, $0x38;
	[tilespmem:$0x1ED00] =	vst v63  }
0x8b: {  	s17 =	rddreg [dreg:$0x6]  }
0x8c: {  	[tilespmem:s25], [sflag:$0x1] =	stream.linear.gather [hbm4b:s16+s21], $0x50, $0x38;
	[tilespmem:$0x1ED00] =	vst v63  }
0x8d: {  	s20 =	sld [smem:$0x7FD]  }
0x8e: {  	[tilespmem:s26], [sflag:$0x2] =	stream.linear.gather [hbm4b:s17+s21], $0x50, $0x38;
	[tilespmem:$0x1ED00] =	vst v63  }
0x8f: {  	_ = 	snop  }
0x90: {  	[tilespmem:s28], [sflag:$0x2] =	stream.linear.gather [hbm4b:s20+s21], $0x50, $0x38;
	[tilespmem:$0x1ED00] =	vst v63  }
0x91: {  	_ =	swait.ge [sflag:s29], $0x50  }
0x92: {  	[sflag:s29] =	ssyncset.done $0x0  }
0x93: {  	[sflag:s29] =	ssyncadd.s32 $0xFFFFFFB0  }
0x94: {  	_ =	swait.ge [sflag:s29], $0x50  }
0x95: {  	[sflag:s29] =	ssyncset.done $0x0  }
0x96: {  	[sflag:s29] =	ssyncadd.s32 $0xFFFFFFB0  }
0x97: {  	[tilespmem:s23], [sflag:$0x3] =	stream.indirect.gather [hbm4b:s1+s30], $0x80, s21, s30, $0xb8;
	[tilespmem:$0x1ED00] =	vst v63  }
0x98: {  	s22 =	rddreg [dreg:$0x7]  }
0x99: {  	[tilespmem:s31], [sflag:$0x3] =	stream.linear.gather [hbm4b:s22+s21], $0x2800, $0x38;
	[tilespmem:$0x1ED00] =	vst v63  }
0x9a: {  	s22 =	simm.s32 $0x0  }
.LBB2_6:
0x9b: {  	_ =	swait.ge [sflag:s0], $0x50  }
0x9c: {  	[sflag:s0] =	ssyncset.done $0x0  }
0x9d: {  	s15 =	smul.u32 $0xA0, s22;
	[sflag:s0] =	ssyncadd.s32 $0xFFFFFFB0  }
0x9e: {  	_ =	swait.ge [sflag:s0], $0x50  }
0x9f: {  	s16 =	sadd.s32 s15, s9;
	[sflag:s0] =	ssyncset.done $0x0  }
0xa0: {  	s16 =	sshll.u32 s16, $0x4;
	[sflag:s0] =	ssyncadd.s32 $0xFFFFFFB0  }
0xa1: {  	[tilespmem:s7], [sflag:$0x4] =	stream.indirect.gather [hbm4b:s1+s30], $0x80, s26, s30, $0xb8;
	[tilespmem:$0x1ED00] =	vst v63  }
0xa2: {  	s16 =	sadd.s32 s5, s16  }
0xa3: {  	[tilespmem:s11], [sflag:$0x4] =	stream.linear.gather [hbm4b:s16+s21], $0x2800, $0x38;
	[tilespmem:$0x1ED00] =	vst v63  }
0xa4: {  	_ =	swait.ge [sflag:s24], $0x2800  }
0xa5: {  	[sflag:s24] =	ssyncset.done $0x0  }
0xa6: {  	[sflag:s24] =	ssyncadd.s32 $0xFFFFD800  }
0xa7: {  	_ =	swait.ge [sflag:s24], $0x2800  }
0xa8: {  	[sflag:s24] =	ssyncset.done $0x0  }
0xa9: {  	s16 =	simm.s32 $0x0;
	[sflag:s24] =	ssyncadd.s32 $0xFFFFD800  }
0xaa: {  	v2 =	vld [tilespmem:s16+$0x270]  }
0xab: {  	v3 =	vld [tilespmem:s16+$0x5270]  }
0xac: {  	v4 =	vld [tilespmem:s16+$0x200]  }
0xad: {  	v5 =	vld [tilespmem:s16+$0x5200]  }
0xae: {  	v6 =	vld [tilespmem:s16+$0x210]  }
0xaf: {  	v7 =	vld [tilespmem:s16+$0x5210]  }
0xb0: {  	v8 =	vld [tilespmem:s16+$0x220]  }
0xb1: {  	v9 =	vld [tilespmem:s16+$0x230];
	v2 =	vadd.f32 v3, v2  }
0xb2: {  	v3 =	vld [tilespmem:s16+$0x5220];
	v4 =	vadd.f32 v5, v4  }
0xb3: {  	v5 =	vld [tilespmem:s16+$0x5230];
	v2 =	vmax.f32 v2, $0.0e+00  }
0xb4: {  	v10 =	vld [tilespmem:s16+$0x240];
	[tilespmem:s16+$0x270] =	vst v2;
	v2 =	vmax.f32 v4, $0.0e+00;
	v4 =	vadd.f32 v7, v6  }
0xb5: {  	v6 =	vld [tilespmem:s16+$0x5240]  }
0xb6: {  	[tilespmem:s16+$0x200] =	vst v2;
	v2 =	vld [tilespmem:s16+$0x250];
	v4 =	vmax.f32 v4, $0.0e+00  }
0xb7: {  	v3 =	vadd.f32 v3, v8;
	[tilespmem:s16+$0x210] =	vst v4;
	v4 =	vld [tilespmem:s16+$0x5250]  }
0xb8: {  	v9 =	vadd.f32 v5, v9;
	v5 =	vld [tilespmem:s16+$0x5260]  }
0xb9: {  	s17 =	simm.s32 $0x80;
	v7 =	vmax.f32 v3, $0.0e+00;
	v3 =	vld [tilespmem:s16+$0x260]  }
0xba: {  	s20 =	simm.s32 $0x400;
	v8 =	vld [tilespmem:s17+$0x270];
	[tilespmem:s16+$0x220] =	vst v7;
	v7 =	vmax.f32 v9, $0.0e+00;
	v6 =	vadd.f32 v6, v10  }
.LBB2_7:
0xbb: {  	p1 =	sne.s32 s20, $0x9E00;
	v9 =	vld [tilespmem:s17+$0x5270];
	[tilespmem:s16+$0x230] =	vst v7  }
0xbc: {  	v7 =	vld [tilespmem:s17+$0x200];
	v6 =	vmax.f32 v6, $0.0e+00;
	v2 =	vadd.f32 v4, v2  }
0xbd: {  	v4 =	vld [tilespmem:s17+$0x5200];
	[tilespmem:s16+$0x240] =	vst v6  }
0xbe: {  	v6 =	vld [tilespmem:s17+$0x210];
	v2 =	vmax.f32 v2, $0.0e+00;
	v3 =	vadd.f32 v5, v3  }
0xbf: {  	v5 =	vld [tilespmem:s17+$0x5210];
	[tilespmem:s16+$0x250] =	vst v2  }
0xc0: {  	v2 =	vld [tilespmem:s17+$0x220];
	v8 =	vadd.f32 v9, v8;
	v3 =	vmax.f32 v3, $0.0e+00  }
0xc1: {  	v9 =	vld [tilespmem:s17+$0x5220];
	[tilespmem:s16+$0x260] =	vst v3;
	s16 =	smov.u32 s17  }
0xc2: {  	v3 =	vadd.f32 v4, v7;
	v7 =	vld [tilespmem:s16+$0x230];
	v4 =	vmax.f32 v8, $0.0e+00  }
0xc3: {  	v8 =	vld [tilespmem:s16+$0x5230];
	[tilespmem:s16+$0x270] =	vst v4  }
0xc4: {  	v3 =	vmax.f32 v3, $0.0e+00;
	v4 =	vadd.f32 v5, v6;
	v6 =	vld [tilespmem:s16+$0x240]  }
0xc5: {  	[tilespmem:s16+$0x200] =	vst v3;
	v10 =	vld [tilespmem:s16+$0x5240]  }
.Ltmp2:
0xc6: {  	v3 =	vmax.f32 v4, $0.0e+00;
	v5 =	vadd.f32 v9, v2;
	v2 =	vld [tilespmem:s16+$0x250];
	(pc) =	sbr.rel @p1 .LBB2_7-.Ltmp2, $4  }
0xc7: {  	[tilespmem:s16+$0x210] =	vst v3;
	v4 =	vld [tilespmem:s16+$0x5250]  }
0xc8: {  	v5 =	vmax.f32 v5, $0.0e+00;
	v7 =	vadd.f32 v8, v7;
	v3 =	vld [tilespmem:s16+$0x260]  }
0xc9: {  	s17 =	sshra.s32 s20, $0x2;
	[tilespmem:s16+$0x220] =	vst v5;
	v5 =	vld [tilespmem:s16+$0x5260]  }
0xca: {  	s20 =	sadd.s32 $0x200, s20;
	v8 =	vld [tilespmem:s17+$0x270];
	v7 =	vmax.f32 v7, $0.0e+00;
	v6 =	vadd.f32 v10, v6  }
0xcb: {  	v9 =	vld [tilespmem:s17+$0x5270]  }
0xcc: {  	v10 =	vld [tilespmem:s17+$0x200]  }
0xcd: {  	v11 =	vld [tilespmem:s17+$0x5200]  }
0xce: {  	v12 =	vld [tilespmem:s17+$0x210]  }
0xcf: {  	v13 =	vld [tilespmem:s17+$0x5210]  }
0xd0: {  	v14 =	vld [tilespmem:s17+$0x220]  }
0xd1: {  	v15 =	vld [tilespmem:s17+$0x230]  }
0xd2: {  	v61 =	vld [tilespmem:s17+$0x250]  }
0xd3: {  	v62 =	vld [tilespmem:s17+$0x5250];
	v8 =	vadd.f32 v9, v8  }
0xd4: {  	v9 =	vld [tilespmem:s17+$0x5220];
	v10 =	vadd.f32 v11, v10  }
0xd5: {  	v11 =	vld [tilespmem:s17+$0x5230];
	v8 =	vmax.f32 v8, $0.0e+00  }
0xd6: {  	[tilespmem:s17+$0x270] =	vst v8;
	v8 =	vmax.f32 v10, $0.0e+00;
	v10 =	vld [tilespmem:s17+$0x240]  }
0xd7: {  	v2 =	vadd.f32 v4, v2;
	[tilespmem:s17+$0x200] =	vst v8;
	v8 =	vld [tilespmem:s17+$0x5240]  }
0xd8: {  	v63 =	vld [tilespmem:s17+$0x260];
	[tilespmem:s16+$0x230] =	vst v7;
	v3 =	vadd.f32 v5, v3;
	v5 =	vmax.f32 v6, $0.0e+00  }
0xd9: {  	v4 =	vld [tilespmem:s17+$0x5260];
	v2 =	vmax.f32 v2, $0.0e+00;
	[tilespmem:s16+$0x240] =	vst v5;
	v12 =	vadd.f32 v13, v12  }
0xda: {  	[tilespmem:s16+$0x250] =	vst v2;
	v2 =	vmax.f32 v3, $0.0e+00;
	v9 =	vadd.f32 v9, v14  }
0xdb: {  	[tilespmem:s16+$0x260] =	vst v2;
	v12 =	vmax.f32 v12, $0.0e+00;
	v5 =	vadd.f32 v11, v15  }
0xdc: {  	[tilespmem:s17+$0x210] =	vst v12;
	v9 =	vmax.f32 v9, $0.0e+00;
	v3 =	vadd.f32 v8, v10  }
0xdd: {  	v2 =	vmax.f32 v5, $0.0e+00;
	v5 =	vadd.f32 v62, v61;
	[tilespmem:s17+$0x220] =	vst v9  }
0xde: {  	[tilespmem:s17+$0x230] =	vst v2;
	v2 =	vmax.f32 v3, $0.0e+00;
	v3 =	vadd.f32 v4, v63  }
0xdf: {  	[tilespmem:s17+$0x240] =	vst v2;
	v2 =	vmax.f32 v5, $0.0e+00  }
0xe0: {  	[tilespmem:s17+$0x250] =	vst v2;
	v2 =	vmax.f32 v3, $0.0e+00  }
0xe1: {  	[tilespmem:s17+$0x260] =	vst v2  }
0xe2: {  	[spmem:s2] =	stream.indirect.scatter.add.f32 [tilespmem:s23], [sflag:$0x5], $0x80, s25, s30, $0xb8;
	[tilespmem:$0x1ED00] =	vst v63  }
0xe3: {  	_ = 	snop  }
0xe4: {  	[spmem:s3] =	stream.indirect.scatter.add.f32 [tilespmem:s12], [sflag:$0x5], $0x1, s25, s30, $0xb8;
	[tilespmem:$0x1ED00] =	vst v63  }
0xe5: {  	_ =	swait.ge [sflag:s10], $0x2800  }
0xe6: {  	[sflag:s10] =	ssyncset.done $0x0  }
0xe7: {  	[sflag:s10] =	ssyncadd.s32 $0xFFFFD800  }
0xe8: {  	s16 =	sadd.s32 s15, s18;
	_ =	swait.ge [sflag:s10], $0x50  }
0xe9: {  	s20 =	sshrl.u32 s16, $0x3;
	[sflag:s10] =	ssyncset.done $0x0  }
0xea: {  	s17 =	sadd.s32 s6, s20;
	s20 =	simm.s32 $0x0;
	[sflag:s10] =	ssyncadd.s32 $0xFFFFFFB0  }
0xeb: {  	[tilespmem:s20], [sflag:$0x1] =	stream.linear.gather [hbm4b:s17+s20], $0x50, $0x38;
	[tilespmem:$0x1ED00] =	vst v63  }
0xec: {  	s17 =	sadd.s32 $0x9C40, s17  }
0xed: {  	[tilespmem:s25], [sflag:$0x1] =	stream.linear.gather [hbm4b:s17+s20], $0x50, $0x38;
	[tilespmem:$0x1ED00] =	vst v63  }
0xee: {  	_ =	swait.ge [sflag:s29], $0x50  }
0xef: {  	[sflag:s29] =	ssyncset.done $0x0  }
0xf0: {  	[sflag:s29] =	ssyncadd.s32 $0xFFFFFFB0  }
0xf1: {  	_ =	swait.ge [sflag:s29], $0x50  }
0xf2: {  	[sflag:s29] =	ssyncset.done $0x0  }
0xf3: {  	s16 =	sshll.u32 s16, $0x4;
	[sflag:s29] =	ssyncadd.s32 $0xFFFFFFB0  }
0xf4: {  	[tilespmem:s23], [sflag:$0x3] =	stream.indirect.gather [hbm4b:s1+s30], $0x80, s20, s30, $0xb8;
	[tilespmem:$0x1ED00] =	vst v63  }
0xf5: {  	s16 =	sadd.s32 s5, s16  }
0xf6: {  	[tilespmem:s31], [sflag:$0x3] =	stream.linear.gather [hbm4b:s16+s20], $0x2800, $0x38;
	[tilespmem:$0x1ED00] =	vst v63  }
0xf7: {  	_ =	swait.ge [sflag:s13], $0x2800  }
0xf8: {  	[sflag:s13] =	ssyncset.done $0x0  }
0xf9: {  	[sflag:s13] =	ssyncadd.s32 $0xFFFFD800  }
0xfa: {  	_ =	swait.ge [sflag:s13], $0x2800  }
0xfb: {  	[sflag:s13] =	ssyncset.done $0x0  }
0xfc: {  	s16 =	simm.s32 $0x0;
	[sflag:s13] =	ssyncadd.s32 $0xFFFFD800  }
0xfd: {  	v2 =	vld [tilespmem:s16+$0x2A70]  }
0xfe: {  	v3 =	vld [tilespmem:s16+$0x7A70]  }
0xff: {  	v4 =	vld [tilespmem:s16+$0x2A00]  }
0x100: {  	v5 =	vld [tilespmem:s16+$0x7A00]  }
0x101: {  	v6 =	vld [tilespmem:s16+$0x2A10]  }
0x102: {  	v7 =	vld [tilespmem:s16+$0x7A10]  }
0x103: {  	v8 =	vld [tilespmem:s16+$0x2A20]  }
0x104: {  	v9 =	vld [tilespmem:s16+$0x2A30];
	v2 =	vadd.f32 v3, v2  }
0x105: {  	v3 =	vld [tilespmem:s16+$0x7A20];
	v4 =	vadd.f32 v5, v4  }
0x106: {  	v5 =	vld [tilespmem:s16+$0x7A30];
	v2 =	vmax.f32 v2, $0.0e+00  }
0x107: {  	v10 =	vld [tilespmem:s16+$0x2A40];
	[tilespmem:s16+$0x2A70] =	vst v2;
	v2 =	vmax.f32 v4, $0.0e+00;
	v4 =	vadd.f32 v7, v6  }
0x108: {  	v6 =	vld [tilespmem:s16+$0x7A40]  }
0x109: {  	[tilespmem:s16+$0x2A00] =	vst v2;
	v2 =	vld [tilespmem:s16+$0x2A50];
	v4 =	vmax.f32 v4, $0.0e+00  }
0x10a: {  	v3 =	vadd.f32 v3, v8;
	[tilespmem:s16+$0x2A10] =	vst v4;
	v4 =	vld [tilespmem:s16+$0x7A50]  }
0x10b: {  	v9 =	vadd.f32 v5, v9;
	v5 =	vld [tilespmem:s16+$0x7A60]  }
0x10c: {  	s17 =	simm.s32 $0x80;
	v7 =	vmax.f32 v3, $0.0e+00;
	v3 =	vld [tilespmem:s16+$0x2A60]  }
0x10d: {  	s20 =	simm.s32 $0x400;
	v8 =	vld [tilespmem:s17+$0x2A70];
	[tilespmem:s16+$0x2A20] =	vst v7;
	v7 =	vmax.f32 v9, $0.0e+00;
	v6 =	vadd.f32 v6, v10  }
.LBB2_9:
0x10e: {  	p1 =	sne.s32 s20, $0x9E00;
	v9 =	vld [tilespmem:s17+$0x7A70];
	[tilespmem:s16+$0x2A30] =	vst v7  }
0x10f: {  	v7 =	vld [tilespmem:s17+$0x2A00];
	v6 =	vmax.f32 v6, $0.0e+00;
	v2 =	vadd.f32 v4, v2  }
0x110: {  	v4 =	vld [tilespmem:s17+$0x7A00];
	[tilespmem:s16+$0x2A40] =	vst v6  }
0x111: {  	v6 =	vld [tilespmem:s17+$0x2A10];
	v2 =	vmax.f32 v2, $0.0e+00;
	v3 =	vadd.f32 v5, v3  }
0x112: {  	v5 =	vld [tilespmem:s17+$0x7A10];
	[tilespmem:s16+$0x2A50] =	vst v2  }
0x113: {  	v2 =	vld [tilespmem:s17+$0x2A20];
	v8 =	vadd.f32 v9, v8;
	v3 =	vmax.f32 v3, $0.0e+00  }
0x114: {  	v9 =	vld [tilespmem:s17+$0x7A20];
	[tilespmem:s16+$0x2A60] =	vst v3;
	s16 =	smov.u32 s17  }
0x115: {  	v3 =	vadd.f32 v4, v7;
	v7 =	vld [tilespmem:s16+$0x2A30];
	v4 =	vmax.f32 v8, $0.0e+00  }
0x116: {  	v8 =	vld [tilespmem:s16+$0x7A30];
	[tilespmem:s16+$0x2A70] =	vst v4  }
0x117: {  	v3 =	vmax.f32 v3, $0.0e+00;
	v4 =	vadd.f32 v5, v6;
	v6 =	vld [tilespmem:s16+$0x2A40]  }
0x118: {  	[tilespmem:s16+$0x2A00] =	vst v3;
	v10 =	vld [tilespmem:s16+$0x7A40]  }
.Ltmp3:
0x119: {  	v3 =	vmax.f32 v4, $0.0e+00;
	v5 =	vadd.f32 v9, v2;
	v2 =	vld [tilespmem:s16+$0x2A50];
	(pc) =	sbr.rel @p1 .LBB2_9-.Ltmp3, $4  }
0x11a: {  	[tilespmem:s16+$0x2A10] =	vst v3;
	v4 =	vld [tilespmem:s16+$0x7A50]  }
0x11b: {  	v5 =	vmax.f32 v5, $0.0e+00;
	v7 =	vadd.f32 v8, v7;
	v3 =	vld [tilespmem:s16+$0x2A60]  }
0x11c: {  	s17 =	sshra.s32 s20, $0x2;
	[tilespmem:s16+$0x2A20] =	vst v5;
	v5 =	vld [tilespmem:s16+$0x7A60]  }
0x11d: {  	s20 =	sadd.s32 $0x200, s20;
	v8 =	vld [tilespmem:s17+$0x2A70];
	v7 =	vmax.f32 v7, $0.0e+00;
	v6 =	vadd.f32 v10, v6  }
0x11e: {  	v9 =	vld [tilespmem:s17+$0x7A70]  }
0x11f: {  	v10 =	vld [tilespmem:s17+$0x2A00]  }
0x120: {  	v11 =	vld [tilespmem:s17+$0x7A00]  }
0x121: {  	v12 =	vld [tilespmem:s17+$0x2A10]  }
0x122: {  	v13 =	vld [tilespmem:s17+$0x7A10]  }
0x123: {  	v14 =	vld [tilespmem:s17+$0x2A20]  }
0x124: {  	v52 =	vld [tilespmem:s17+$0x7A20]  }
0x125: {  	v15 =	vld [tilespmem:s17+$0x2A30]  }
0x126: {  	v53 =	vld [tilespmem:s17+$0x7A30]  }
0x127: {  	v55 =	vld [tilespmem:s17+$0x2A40]  }
0x128: {  	v56 =	vld [tilespmem:s17+$0x7A40];
	v2 =	vadd.f32 v4, v2  }
0x129: {  	v57 =	vld [tilespmem:s17+$0x2A50];
	[tilespmem:s16+$0x2A30] =	vst v7;
	v61 =	vmax.f32 v6, $0.0e+00;
	v3 =	vadd.f32 v5, v3  }
0x12a: {  	v58 =	vld [tilespmem:s17+$0x7A50];
	[tilespmem:s16+$0x2A40] =	vst v61;
	v2 =	vmax.f32 v2, $0.0e+00;
	v8 =	vadd.f32 v9, v8  }
0x12b: {  	v59 =	vld [tilespmem:s17+$0x2A60];
	[tilespmem:s16+$0x2A50] =	vst v2;
	v10 =	vadd.f32 v11, v10;
	v2 =	vmax.f32 v3, $0.0e+00  }
0x12c: {  	v60 =	vld [tilespmem:s17+$0x7A60];
	v12 =	vadd.f32 v13, v12;
	[tilespmem:s16+$0x2A60] =	vst v2;
	v8 =	vmax.f32 v8, $0.0e+00  }
0x12d: {  	v9 =	vadd.f32 v52, v14;
	v54 =	vmax.f32 v10, $0.0e+00;
	[tilespmem:s17+$0x2A70] =	vst v8  }
0x12e: {  	v62 =	vadd.f32 v53, v15;
	v12 =	vmax.f32 v12, $0.0e+00;
	[tilespmem:s17+$0x2A00] =	vst v54  }
0x12f: {  	v3 =	vadd.f32 v56, v55;
	v9 =	vmax.f32 v9, $0.0e+00;
	[tilespmem:s17+$0x2A10] =	vst v12  }
0x130: {  	v63 =	vadd.f32 v58, v57;
	v2 =	vmax.f32 v62, $0.0e+00;
	[tilespmem:s17+$0x2A20] =	vst v9  }
0x131: {  	[tilespmem:s17+$0x2A30] =	vst v2;
	v2 =	vmax.f32 v3, $0.0e+00;
	v3 =	vadd.f32 v60, v59  }
0x132: {  	[tilespmem:s17+$0x2A40] =	vst v2;
	v2 =	vmax.f32 v63, $0.0e+00  }
0x133: {  	[tilespmem:s17+$0x2A50] =	vst v2;
	v2 =	vmax.f32 v3, $0.0e+00  }
0x134: {  	[tilespmem:s17+$0x2A60] =	vst v2  }
0x135: {  	[spmem:s2] =	stream.indirect.scatter.add.f32 [tilespmem:s7], [sflag:$0x5], $0x80, s28, s30, $0xb8;
	[tilespmem:$0x1ED00] =	vst v63  }
0x136: {  	_ = 	snop  }
0x137: {  	[spmem:s3] =	stream.indirect.scatter.add.f32 [tilespmem:s12], [sflag:$0x5], $0x1, s28, s30, $0xb8;
	[tilespmem:$0x1ED00] =	vst v63  }
0x138: {  	p1 =	seq.s32 s22, $0x3D;
	_ =	swait.ge [sflag:s10], $0x2800  }
.Ltmp4:
0x139: {  	[sflag:s10] =	ssyncset.done $0x0;
	(pc) =	sbr.rel @p1 .LBB2_12-.Ltmp4, $4  }
0x13a: {  	[sflag:s10] =	ssyncadd.s32 $0xFFFFD800  }
0x13b: {  	_ =	swait.ge [sflag:s10], $0x50  }
0x13c: {  	[sflag:s10] =	ssyncset.done $0x0  }
0x13d: {  	[sflag:s10] =	ssyncadd.s32 $0xFFFFFFB0  }
0x13e: {  	s15 =	sadd.s32 s15, s19  }
.Ltmp5:
0x13f: {  	s15 =	sshrl.u32 s15, $0x3;
	(pc) =	sbr.rel .LBB2_6-.Ltmp5, $4  }
0x140: {  	s15 =	sadd.s32 s6, s15  }
0x141: {  	[tilespmem:s26], [sflag:$0x2] =	stream.linear.gather [hbm4b:s15+s4], $0x50, $0x38;
	[tilespmem:$0x1ED00] =	vst v63  }
0x142: {  	s22 =	sadd.s32 $0x1, s22;
	s15 =	sadd.s32 $0x9C40, s15  }
0x143: {  	[tilespmem:s28], [sflag:$0x2] =	stream.linear.gather [hbm4b:s15+s4], $0x50, $0x38;
	[tilespmem:$0x1ED00] =	vst v63  }
.LBB2_12:
0x144: {  	_ =	swait.ge [sflag:s24], $0x2800  }
0x145: {  	[sflag:s24] =	ssyncset.done $0x0  }
0x146: {  	[sflag:s24] =	ssyncadd.s32 $0xFFFFD800  }
0x147: {  	_ =	swait.ge [sflag:s24], $0x2800  }
0x148: {  	[sflag:s24] =	ssyncset.done $0x0  }
0x149: {  	s15 =	simm.s32 $0x0;
	[sflag:s24] =	ssyncadd.s32 $0xFFFFD800  }
0x14a: {  	v2 =	vld [tilespmem:s15+$0x270]  }
0x14b: {  	v3 =	vld [tilespmem:s15+$0x5270]  }
0x14c: {  	v4 =	vld [tilespmem:s15+$0x200]  }
0x14d: {  	v5 =	vld [tilespmem:s15+$0x5200]  }
0x14e: {  	v6 =	vld [tilespmem:s15+$0x210]  }
0x14f: {  	v7 =	vld [tilespmem:s15+$0x5210]  }
0x150: {  	v8 =	vld [tilespmem:s15+$0x220]  }
0x151: {  	v9 =	vld [tilespmem:s15+$0x230];
	v2 =	vadd.f32 v3, v2  }
0x152: {  	v3 =	vld [tilespmem:s15+$0x5220];
	v4 =	vadd.f32 v5, v4  }
0x153: {  	v5 =	vld [tilespmem:s15+$0x5230];
	v2 =	vmax.f32 v2, $0.0e+00  }
0x154: {  	v10 =	vld [tilespmem:s15+$0x240];
	[tilespmem:s15+$0x270] =	vst v2;
	v2 =	vmax.f32 v4, $0.0e+00;
	v4 =	vadd.f32 v7, v6  }
0x155: {  	v6 =	vld [tilespmem:s15+$0x5240]  }
0x156: {  	[tilespmem:s15+$0x200] =	vst v2;
	v2 =	vld [tilespmem:s15+$0x250];
	v4 =	vmax.f32 v4, $0.0e+00  }
0x157: {  	v3 =	vadd.f32 v3, v8;
	[tilespmem:s15+$0x210] =	vst v4;
	v4 =	vld [tilespmem:s15+$0x5250]  }
0x158: {  	v9 =	vadd.f32 v5, v9;
	v5 =	vld [tilespmem:s15+$0x5260]  }
0x159: {  	s16 =	simm.s32 $0x80;
	v7 =	vmax.f32 v3, $0.0e+00;
	v3 =	vld [tilespmem:s15+$0x260]  }
0x15a: {  	s17 =	simm.s32 $0x400;
	v8 =	vld [tilespmem:s16+$0x270];
	[tilespmem:s15+$0x220] =	vst v7;
	v7 =	vmax.f32 v9, $0.0e+00;
	v6 =	vadd.f32 v6, v10  }
.LBB2_13:
0x15b: {  	p1 =	sne.s32 s17, $0x9E00;
	v9 =	vld [tilespmem:s16+$0x5270];
	[tilespmem:s15+$0x230] =	vst v7  }
0x15c: {  	v7 =	vld [tilespmem:s16+$0x200];
	v6 =	vmax.f32 v6, $0.0e+00;
	v2 =	vadd.f32 v4, v2  }
0x15d: {  	v4 =	vld [tilespmem:s16+$0x5200];
	[tilespmem:s15+$0x240] =	vst v6  }
0x15e: {  	v6 =	vld [tilespmem:s16+$0x210];
	v2 =	vmax.f32 v2, $0.0e+00;
	v3 =	vadd.f32 v5, v3  }
0x15f: {  	v5 =	vld [tilespmem:s16+$0x5210];
	[tilespmem:s15+$0x250] =	vst v2  }
0x160: {  	v2 =	vld [tilespmem:s16+$0x220];
	v8 =	vadd.f32 v9, v8;
	v3 =	vmax.f32 v3, $0.0e+00  }
0x161: {  	v9 =	vld [tilespmem:s16+$0x5220];
	[tilespmem:s15+$0x260] =	vst v3;
	s15 =	smov.u32 s16  }
0x162: {  	v3 =	vadd.f32 v4, v7;
	v7 =	vld [tilespmem:s15+$0x230];
	v4 =	vmax.f32 v8, $0.0e+00  }
0x163: {  	v8 =	vld [tilespmem:s15+$0x5230];
	[tilespmem:s15+$0x270] =	vst v4  }
0x164: {  	v3 =	vmax.f32 v3, $0.0e+00;
	v4 =	vadd.f32 v5, v6;
	v6 =	vld [tilespmem:s15+$0x240]  }
0x165: {  	[tilespmem:s15+$0x200] =	vst v3;
	v10 =	vld [tilespmem:s15+$0x5240]  }
.Ltmp6:
0x166: {  	v3 =	vmax.f32 v4, $0.0e+00;
	v5 =	vadd.f32 v9, v2;
	v2 =	vld [tilespmem:s15+$0x250];
	(pc) =	sbr.rel @p1 .LBB2_13-.Ltmp6, $4  }
0x167: {  	[tilespmem:s15+$0x210] =	vst v3;
	v4 =	vld [tilespmem:s15+$0x5250]  }
0x168: {  	v5 =	vmax.f32 v5, $0.0e+00;
	v7 =	vadd.f32 v8, v7;
	v3 =	vld [tilespmem:s15+$0x260]  }
0x169: {  	s16 =	sshra.s32 s17, $0x2;
	[tilespmem:s15+$0x220] =	vst v5;
	v5 =	vld [tilespmem:s15+$0x5260]  }
0x16a: {  	s17 =	sadd.s32 $0x200, s17;
	v8 =	vld [tilespmem:s16+$0x270];
	v7 =	vmax.f32 v7, $0.0e+00;
	v6 =	vadd.f32 v10, v6  }
0x16b: {  	v9 =	vld [tilespmem:s16+$0x5270]  }
0x16c: {  	v10 =	vld [tilespmem:s16+$0x200]  }
0x16d: {  	v11 =	vld [tilespmem:s16+$0x5200]  }
0x16e: {  	v12 =	vld [tilespmem:s16+$0x210]  }
0x16f: {  	v13 =	vld [tilespmem:s16+$0x5210]  }
0x170: {  	v14 =	vld [tilespmem:s16+$0x220]  }
0x171: {  	v52 =	vld [tilespmem:s16+$0x5220]  }
0x172: {  	v15 =	vld [tilespmem:s16+$0x230]  }
0x173: {  	v53 =	vld [tilespmem:s16+$0x5230]  }
0x174: {  	v55 =	vld [tilespmem:s16+$0x240]  }
0x175: {  	v56 =	vld [tilespmem:s16+$0x5240];
	v2 =	vadd.f32 v4, v2  }
0x176: {  	v57 =	vld [tilespmem:s16+$0x250];
	[tilespmem:s15+$0x230] =	vst v7;
	v61 =	vmax.f32 v6, $0.0e+00;
	v3 =	vadd.f32 v5, v3  }
0x177: {  	v58 =	vld [tilespmem:s16+$0x5250];
	[tilespmem:s15+$0x240] =	vst v61;
	v2 =	vmax.f32 v2, $0.0e+00;
	v8 =	vadd.f32 v9, v8  }
0x178: {  	v59 =	vld [tilespmem:s16+$0x260];
	[tilespmem:s15+$0x250] =	vst v2;
	v10 =	vadd.f32 v11, v10;
	v2 =	vmax.f32 v3, $0.0e+00  }
0x179: {  	v60 =	vld [tilespmem:s16+$0x5260];
	v12 =	vadd.f32 v13, v12;
	[tilespmem:s15+$0x260] =	vst v2;
	v8 =	vmax.f32 v8, $0.0e+00  }
0x17a: {  	v9 =	vadd.f32 v52, v14;
	v54 =	vmax.f32 v10, $0.0e+00;
	[tilespmem:s16+$0x270] =	vst v8  }
0x17b: {  	v62 =	vadd.f32 v53, v15;
	v12 =	vmax.f32 v12, $0.0e+00;
	[tilespmem:s16+$0x200] =	vst v54  }
0x17c: {  	v3 =	vadd.f32 v56, v55;
	v9 =	vmax.f32 v9, $0.0e+00;
	[tilespmem:s16+$0x210] =	vst v12  }
0x17d: {  	v63 =	vadd.f32 v58, v57;
	v2 =	vmax.f32 v62, $0.0e+00;
	[tilespmem:s16+$0x220] =	vst v9  }
0x17e: {  	[tilespmem:s16+$0x230] =	vst v2;
	v2 =	vmax.f32 v3, $0.0e+00;
	v3 =	vadd.f32 v60, v59  }
0x17f: {  	[tilespmem:s16+$0x240] =	vst v2;
	v2 =	vmax.f32 v63, $0.0e+00  }
0x180: {  	[tilespmem:s16+$0x250] =	vst v2;
	v2 =	vmax.f32 v3, $0.0e+00  }
0x181: {  	[tilespmem:s16+$0x260] =	vst v2  }
0x182: {  	[spmem:s2] =	stream.indirect.scatter.add.f32 [tilespmem:s23], [sflag:$0x5], $0x80, s25, s30, $0xb8;
	[tilespmem:$0x1ED00] =	vst v63  }
0x183: {  	_ = 	snop  }
0x184: {  	[spmem:s3] =	stream.indirect.scatter.add.f32 [tilespmem:s12], [sflag:$0x5], $0x1, s25, s30, $0xb8;
	[tilespmem:$0x1ED00] =	vst v63  }
0x185: {  	_ =	swait.ge [sflag:s10], $0x2800  }
0x186: {  	[sflag:s10] =	ssyncset.done $0x0  }
0x187: {  	[sflag:s10] =	ssyncadd.s32 $0xFFFFD800  }
0x188: {  	_ =	swait.ge [sflag:s10], $0x50  }
0x189: {  	[sflag:s10] =	ssyncset.done $0x0  }
0x18a: {  	[sflag:s10] =	ssyncadd.s32 $0xFFFFFFB0  }
0x18b: {  	s16 =	stileid.u32;
	[bflag:$0x0] =	sbarrier.arrive $0xFFFF  }
0x18c: {  	s15 =	sshll.u32 s16, $0x6;
	s17 =	rddreg [dreg:$0x1e]  }
0x18d: {  	s15 =	sor.u32 $0x1C03, s15;
	s16 =	sshrl.u32 s17, $0x3;
	s17 =	rddreg [dreg:$0x8]  }
0x18e: {  	[hbm:s17], [sflag:s15] =	dma.local [spmem:s16], $0x800  }
0x18f: {  	s16 =	rddreg [dreg:$0x9]  }
0x190: {  	s17 =	rddreg [dreg:$0x13]  }
0x191: {  	[hbm:s16], [sflag:s15] =	dma.local [spmem:s17], $0x800  }
0x192: {  	s16 =	rddreg [dreg:$0xa]  }
0x193: {  	s17 =	rddreg [dreg:$0x14]  }
0x194: {  	[hbm:s16], [sflag:s15] =	dma.local [spmem:s17], $0x800  }
0x195: {  	s16 =	rddreg [dreg:$0xb]  }
0x196: {  	s17 =	rddreg [dreg:$0x15]  }
0x197: {  	[hbm:s16], [sflag:s15] =	dma.local [spmem:s17], $0x800  }
0x198: {  	s16 =	rddreg [dreg:$0xc]  }
0x199: {  	s17 =	rddreg [dreg:$0x16]  }
0x19a: {  	[hbm:s16], [sflag:s15] =	dma.local [spmem:s17], $0x800  }
0x19b: {  	_ =	swait.ge [sflag:s24], $0x800  }
0x19c: {  	[sflag:s24] =	ssyncset.done $0x0  }
0x19d: {  	[sflag:s24] =	ssyncadd.s32 $0xFFFFF800  }
0x19e: {  	_ =	swait.ge [sflag:s24], $0x800  }
0x19f: {  	[sflag:s24] =	ssyncset.done $0x0  }
0x1a0: {  	[sflag:s24] =	ssyncadd.s32 $0xFFFFF800  }
0x1a1: {  	_ =	swait.ge [sflag:s24], $0x800  }
0x1a2: {  	[sflag:s24] =	ssyncset.done $0x0  }
0x1a3: {  	[sflag:s24] =	ssyncadd.s32 $0xFFFFF800  }
0x1a4: {  	_ =	swait.ge [sflag:s24], $0x800  }
0x1a5: {  	[sflag:s24] =	ssyncset.done $0x0  }
0x1a6: {  	[sflag:s24] =	ssyncadd.s32 $0xFFFFF800  }
0x1a7: {  	_ =	swait.ge [sflag:s24], $0x800  }
0x1a8: {  	s15 =	sshrl.u32 @!p0 s3, $0x3;
	[sflag:s24] =	ssyncset.done $0x0  }
0x1a9: {  	s16 =	simm.s32 @!p0 $0x1C06;
	s17 =	rddreg [dreg:$0xd];
	[sflag:s24] =	ssyncadd.s32 $0xFFFFF800  }
0x1aa: {  	[hbm:s17], [sflag:s16] =	dma.local @!p0 [spmem:s15], $0x100  }
0x1ab: {  	s15 =	simm.s32 @!p0 $0x6  }
0x1ac: {  	_ =	swait.ge @!p0 [sflag:s15], $0x100  }
0x1ad: {  	[sflag:s15] =	ssyncset.done @!p0 $0x0  }
0x1ae: {  	s17 =	sshrl.u32 @!p0 s8, $0x3;
	s20 =	rddreg [dreg:$0xe];
	[sflag:s15] =	ssyncadd.s32 @!p0 $0xFFFFFF00  }
0x1af: {  	[hbm:s20], [sflag:s16] =	dma.local @!p0 [spmem:s17], $0x100  }
0x1b0: {  	_ =	swait.ge @!p0 [sflag:s15], $0x100  }
0x1b1: {  	s22 =	smov.u32 s8;
	[sflag:s15] =	ssyncset.done @!p0 $0x0;
	s8 =	rddreg [dreg:$0x1f]  }
0x1b2: {  	s20 =	rddreg [dreg:$0xf];
	[sflag:s15] =	ssyncadd.s32 @!p0 $0xFFFFFF00;
	s17 =	sshrl.u32 @!p0 s8, $0x3  }
0x1b3: {  	[hbm:s20], [sflag:s16] =	dma.local @!p0 [spmem:s17], $0x100  }
0x1b4: {  	_ =	swait.ge @!p0 [sflag:s15], $0x100  }
0x1b5: {  	s8 =	sld [smem:$0x7FA];
	_ =	sdelay $0x1  }
0x1b6: {  	[sflag:s15] =	ssyncset.done @!p0 $0x0  }
0x1b7: {  	s20 =	rddreg [dreg:$0x10];
	[sflag:s15] =	ssyncadd.s32 @!p0 $0xFFFFFF00;
	s17 =	sshrl.u32 @!p0 s8, $0x3  }
0x1b8: {  	[hbm:s20], [sflag:s16] =	dma.local @!p0 [spmem:s17], $0x100  }
0x1b9: {  	_ =	swait.ge @!p0 [sflag:s15], $0x100  }
0x1ba: {  	s8 =	sld [smem:$0x7FB];
	_ =	sdelay $0x1  }
0x1bb: {  	[sflag:s15] =	ssyncset.done @!p0 $0x0  }
0x1bc: {  	s20 =	rddreg [dreg:$0x11];
	[sflag:s15] =	ssyncadd.s32 @!p0 $0xFFFFFF00;
	s17 =	sshrl.u32 @!p0 s8, $0x3  }
0x1bd: {  	[hbm:s20], [sflag:s16] =	dma.local @!p0 [spmem:s17], $0x100  }
0x1be: {  	_ =	swait.ge @!p0 [sflag:s15], $0x100  }
0x1bf: {  	s14 =	sadd.s32 $0x1, s14;
	s20 =	rddreg [dreg:$0x12]  }
0x1c0: {  	p1 =	sne.s32 s14, s20  }
.Ltmp7:
0x1c1: {  	_ = 	snop;
	(pc) =	sbr.rel @p1 .LBB2_1-.Ltmp7, $3  }
0x1c2: {  	_ =	sdelay $0x1  }
0x1c3: {  	[sflag:s15] =	ssyncset.done @!p0 $0x0  }
0x1c4: {  	[sflag:s15] =	ssyncadd.s32 @!p0 $0xFFFFFF00  }
0x1c5: {  	_ =	sfence.sel $0x180000  }
0x1c6: {  	[bflag:$0x0] =	sbarrier.arrive $0xFFFF  }
0x1c7: {  	_ =	strace $0x90000047  }
0x1c8: {  	[bflag:$0x2] =	sbarrier.arrive $0xFFFF  }
0x1c9: {  	s0 =	rddreg [dreg:$0x4]  }
0x1ca: {  	s0 =	sadd.s32 @!p0 $0x100000, s0  }
0x1cb: {  	[sflag:s0] =	ssyncadd.tile.s32 @!p0 $0x1;
	_ =	shalt  }
.Lfunc_end2:
_tile_overlayer_lowered:
.L_overlay_start_2:
0x1cc: {  	(tag) =	ssettag $0x2  }
0x1cd: {  	s0 =	rddreg [dreg:$0x0];
	s2 =	stileid.u32  }
0x1ce: {  	s1 =	rddreg [dreg:$0x1];
	p0 =	sne.s32 s2, $0x0  }
0x1cf: {  	s3 =	rddreg [dreg:$0x2];
	[bflag:$0x3] =	sbarrier.arrive $0xFFFF;
	s2 =	simm.s32 @!p0 $0x1C06  }
0x1d0: {  	[timem:s3], [sflag:s2] =	dma.local @!p0 [hbm:s0], s1  }
0x1d1: {  	s0 =	simm.s32 @!p0 $0x6  }
0x1d2: {  	_ =	swait.ge @!p0 [sflag:s0], s1  }
0x1d3: {  	s1 =	ssub.s32 @!p0 $0x0, s1;
	[sflag:s0] =	ssyncset.done @!p0 $0x0  }
0x1d4: {  	[sflag:s0] =	ssyncadd.s32 @!p0 s1  }
0x1d5: {  	[bflag:$0x3] =	sbarrier.arrive $0xFFFF  }
0x1d6: {  	_ =	shalt  }

</sc_bundles>
